<compile_context>
chip_gen: v7x
topology: tpu7x:2x2x1
jax: 0.10.2.dev20260603
libtpu: 0.0.44.dev20260713+nightly
codegen_flags: <defaults>
</compile_context>

<pallas_src>
import functools

import jax
import jax.numpy as jnp
from jax import lax
from jax.experimental import pallas as pl
from jax.experimental.pallas import tpu as pltpu
from jax.experimental.pallas import tpu_sc as plsc


_TINY = float(jnp.finfo(jnp.float32).tiny)


def _neg_gumbel_chunk(k1, k2, base_row, coli, v):
    bm, cw = coli.shape
    rowi = lax.broadcasted_iota(jnp.int32, (bm, cw), 0)
    p = ((base_row + rowi) * v + coli).astype(jnp.uint32)

    def rotl(x, d):
        return (x << jnp.uint32(d)) | (x >> jnp.uint32(32 - d))

    ks0, ks1 = k1, k2
    ks2 = k1 ^ k2 ^ jnp.uint32(0x1BD11BDA)
    x0 = jnp.full((bm, cw), ks0, dtype=jnp.uint32)
    x1 = p + ks1

    def rounds(x0, x1, rots):
        for r in rots:
            x0 = x0 + x1
            x1 = rotl(x1, r)
            x1 = x0 ^ x1
        return x0, x1

    ra = (13, 15, 26, 6)
    rb = (17, 29, 16, 24)
    x0, x1 = rounds(x0, x1, ra)
    x0 = x0 + ks1
    x1 = x1 + (ks2 + jnp.uint32(1))
    x0, x1 = rounds(x0, x1, rb)
    x0 = x0 + ks2
    x1 = x1 + (ks0 + jnp.uint32(2))
    x0, x1 = rounds(x0, x1, ra)
    x0 = x0 + ks0
    x1 = x1 + (ks1 + jnp.uint32(3))
    x0, x1 = rounds(x0, x1, rb)
    x0 = x0 + ks1
    x1 = x1 + (ks2 + jnp.uint32(4))
    x0, x1 = rounds(x0, x1, ra)
    x0 = x0 + ks2
    x1 = x1 + (ks0 + jnp.uint32(5))
    bits = x0 ^ x1

    float_bits = (bits >> jnp.uint32(9)) | jnp.uint32(0x3F800000)
    floats = lax.bitcast_convert_type(float_bits, jnp.float32) - jnp.float32(1.0)
    u = floats + jnp.float32(_TINY)
    return jnp.log(-jnp.log(u))


def _mlp_sample_body(key_ref, x_ref, w1_ref, b1_ref, w2_ref, b2_ref, w3_ref,
                     b3_ref, lat_ref, lp_ref):
    bm = x_ref.shape[0]
    v = w3_ref.shape[1]
    k1 = key_ref[0].astype(jnp.uint32)
    k2 = key_ref[1].astype(jnp.uint32)
    base_row = pl.program_id(0) * bm

    h = jnp.maximum(
        jnp.dot(x_ref[...], w1_ref[...], preferred_element_type=jnp.float32)
        + b1_ref[...], 0.0)
    h2 = jnp.maximum(
        jnp.dot(h, w2_ref[...], preferred_element_type=jnp.float32)
        + b2_ref[...], 0.0)

    logits = (jnp.dot(h2, w3_ref[...], preferred_element_type=jnp.float32)
              + b3_ref[...])
    col = lax.broadcasted_iota(jnp.int32, (bm, v), 1)
    neg_g = _neg_gumbel_chunk(k1, k2, base_row, col, v)
    a = logits - neg_g
    amax = jnp.max(a, axis=1, keepdims=True)
    idx = jnp.min(jnp.where(a == amax, col, v), axis=1)
    mx = jnp.max(logits, axis=1, keepdims=True)
    lse = jnp.log(jnp.sum(jnp.exp(logits - mx), axis=1)) + mx[:, 0]
    sel = jnp.sum(jnp.where(col == idx[:, None], logits, 0.0), axis=1)
    lat_ref[0, 0, :] = idx
    lp_ref[0, 0, :] = sel - lse


def _mlp_sample(x, W1, b1, W2, b2, W3, b3, key_bits, bm):
    B, F = x.shape
    H = W1.shape[1]
    V = W3.shape[1]
    nb = B // bm
    lat3, lp3 = pl.pallas_call(
        _mlp_sample_body,
        grid=(nb,),
        in_specs=[
            pl.BlockSpec(memory_space=pltpu.SMEM),
            pl.BlockSpec((bm, F), lambda i: (i, 0)),
            pl.BlockSpec((F, H), lambda i: (0, 0)),
            pl.BlockSpec((1, H), lambda i: (0, 0)),
            pl.BlockSpec((H, H), lambda i: (0, 0)),
            pl.BlockSpec((1, H), lambda i: (0, 0)),
            pl.BlockSpec((H, V), lambda i: (0, 0)),
            pl.BlockSpec((1, V), lambda i: (0, 0)),
        ],
        out_specs=[
            pl.BlockSpec((1, 1, bm), lambda i: (i, 0, 0)),
            pl.BlockSpec((1, 1, bm), lambda i: (i, 0, 0)),
        ],
        out_shape=[
            jax.ShapeDtypeStruct((nb, 1, bm), jnp.int32),
            jax.ShapeDtypeStruct((nb, 1, bm), jnp.float32),
        ],
        compiler_params=pltpu.CompilerParams(
            dimension_semantics=("parallel",)),
    )(key_bits, x, W1, b1.reshape(1, H), W2, b2.reshape(1, H), W3,
      b3.reshape(1, V))
    return lat3.reshape(B), lp3.reshape(B)


def _sc_gather(mu, log_var, latent):
    _, F = mu.shape
    B = latent.shape[0]
    info = plsc.get_sparse_core_info()
    nc = info.num_cores
    nw = nc * info.num_subcores
    bpw = B // nw
    mesh = plsc.VectorSubcoreMesh(core_axis_name="c", subcore_axis_name="s")

    nch = 4
    ch = bpw // nch

    @functools.partial(
        pl.kernel, mesh=mesh,
        out_type=(jax.ShapeDtypeStruct((B, F), jnp.float32),
                  jax.ShapeDtypeStruct((B, F), jnp.float32)),
        scratch_types=[
            pltpu.VMEM((bpw,), jnp.int32),
            pltpu.VMEM((ch, F), jnp.float32),
            pltpu.VMEM((ch, F), jnp.float32),
            pltpu.VMEM((ch, F), jnp.float32),
            pltpu.VMEM((ch, F), jnp.float32),
            pltpu.SemaphoreType.DMA,
            pltpu.SemaphoreType.DMA,
            pltpu.SemaphoreType.DMA,
            pltpu.SemaphoreType.DMA,
        ],
    )
    def gather_k(mu_hbm, lv_hbm, idx_hbm, mu_out, lv_out,
                 idx_v, mA, lA, mB, lB, sgA, sgB, swA, swB):
        wid = lax.axis_index("s") * nc + lax.axis_index("c")
        base = wid * bpw
        pltpu.sync_copy(idx_hbm.at[pl.ds(base, bpw)], idx_v)
        bufs = ((mA, lA, sgA, swA), (mB, lB, sgB, swB))
        pend_g = [None, None]
        pend_w = [None, None]
        for c in range(nch):
            b = c % 2
            m, l, sg, sw = bufs[b]
            if pend_w[b] is not None:
                for w in pend_w[b]:
                    w.wait()
                pend_w[b] = None
            idx_c = idx_v.at[pl.ds(c * ch, ch)]
            pend_g[b] = (c, pltpu.async_copy(mu_hbm.at[idx_c], m, sg),
                         pltpu.async_copy(lv_hbm.at[idx_c], l, sg))
            pb = (c + 1) % 2
            if pend_g[pb] is not None:
                pc, gm, gl = pend_g[pb]
                mp, lp, _, swp = bufs[pb]
                gm.wait()
                gl.wait()
                pend_w[pb] = (
                    pltpu.async_copy(mp, mu_out.at[pl.ds(base + pc * ch, ch)],
                                     swp),
                    pltpu.async_copy(lp, lv_out.at[pl.ds(base + pc * ch, ch)],
                                     swp),
                )
                pend_g[pb] = None
        lb = (nch - 1) % 2
        pc, gm, gl = pend_g[lb]
        mp, lp, _, swp = bufs[lb]
        gm.wait()
        gl.wait()
        pend_w[lb] = (
            pltpu.async_copy(mp, mu_out.at[pl.ds(base + pc * ch, ch)], swp),
            pltpu.async_copy(lp, lv_out.at[pl.ds(base + pc * ch, ch)], swp),
        )
        for b in range(2):
            if pend_w[b] is not None:
                for w in pend_w[b]:
                    w.wait()

    return gather_k(mu, log_var, latent)


def kernel(x, W1, b1, W2, b2, W3, b3, mu, log_var, sample_key):
    key_bits = lax.bitcast_convert_type(
        jax.random.key_data(sample_key).astype(jnp.uint32), jnp.int32)
    latent, latent_log_p = _mlp_sample(x, W1, b1, W2, b2, W3, b3, key_bits,
                                       bm=1024)
    mu_out, lv_out = _sc_gather(mu, log_var, latent)
    return (mu_out, lv_out, latent_log_p)

# --- scband reference (transcript-rebuilt; emitter-appended) ---
"""Pipeline reference for scband-model-56727928046522 (READ-ONLY COPY).

The authoritative reference and input builder live on the scoring server;
editing this copy changes nothing except your own understanding.
"""

import jax, jax.numpy as jnp
import numpy as np

N_FEATURES = 128
HIDDEN_DIM = 1024
N_COMPONENTS = 1000
BATCH = 16384


def setup_inputs(seed: int = 0) -> dict:
    key = jax.random.key(seed)
    ks = jax.random.split(key, 10)
    x = jax.random.normal(ks[0], (BATCH, N_FEATURES), dtype=jnp.float32)
    # MLP params: Linear(n_features, hidden), Linear(hidden, hidden), Linear(hidden, n_components)
    def lin_init(k, fan_in, fan_out):
        k1, k2 = jax.random.split(k)
        bound = 1.0 / np.sqrt(fan_in)
        W = jax.random.uniform(k1, (fan_in, fan_out), minval=-bound, maxval=bound, dtype=jnp.float32)
        b = jax.random.uniform(k2, (fan_out,), minval=-bound, maxval=bound, dtype=jnp.float32)
        return W, b
    W1, b1 = lin_init(ks[1], N_FEATURES, HIDDEN_DIM)
    W2, b2 = lin_init(ks[2], HIDDEN_DIM, HIDDEN_DIM)
    W3, b3 = lin_init(ks[3], HIDDEN_DIM, N_COMPONENTS)
    mu = jax.random.normal(ks[4], (N_COMPONENTS, N_FEATURES), dtype=jnp.float32)
    log_var = jnp.ones((N_COMPONENTS, N_FEATURES), dtype=jnp.float32)
    # uniform noise for Gumbel / categorical sampling (fixed for determinism)
    sample_key = ks[5]
    return {"x": x, "W1": W1, "b1": b1, "W2": W2, "b2": b2, "W3": W3, "b3": b3,
            "mu": mu, "log_var": log_var, "sample_key": sample_key}


def reference(x, W1, b1, W2, b2, W3, b3, mu, log_var, sample_key):
    # mixing_logits MLP
    h = jax.nn.relu(x @ W1 + b1)
    h = jax.nn.relu(h @ W2 + b2)
    logits = h @ W3 + b3
    # Categorical sample (Gumbel-max, equivalent to torch.distributions.Categorical.sample)
    g = jax.random.gumbel(sample_key, logits.shape, dtype=logits.dtype)
    latent = jnp.argmax(logits + g, axis=-1)  # [B] int
    # log_prob of sampled class
    log_probs = jax.nn.log_softmax(logits, axis=-1)
    latent_log_p = jnp.take_along_axis(log_probs, latent[:, None], axis=-1)[:, 0]
    # gather mixture params
    mu_out = jnp.take(mu, latent, axis=0)
    log_var_out = jnp.take(log_var, latent, axis=0)
    return (mu_out, log_var_out, latent_log_p)

if __name__ == "__main__":
    import jax
    _d = setup_inputs()
    print(jax.jit(kernel)(*tuple(_d.values())))

</pallas_src>

<mosaic_0001>
#map = affine_map<(d0, d1) -> (0, 0)>
#map1 = affine_map<(d0, d1) -> (0)>
module attributes {stable_mosaic.version = 14 : i64} {
  func.func @gather_k(%arg0: i32, %arg1: i32, %arg2: memref<1000x128xf32, #tpu.memory_space<hbm>>, %arg3: memref<1000x128xf32, #tpu.memory_space<hbm>>, %arg4: memref<16384xi32, #tpu.memory_space<hbm>>, %arg5: memref<16384x128xf32, #tpu.memory_space<hbm>>, %arg6: memref<16384x128xf32, #tpu.memory_space<hbm>>, %arg7: memref<512xi32, #tpu.memory_space<vmem>>, %arg8: memref<128x128xf32, #tpu.memory_space<vmem>>, %arg9: memref<128x128xf32, #tpu.memory_space<vmem>>, %arg10: memref<128x128xf32, #tpu.memory_space<vmem>>, %arg11: memref<128x128xf32, #tpu.memory_space<vmem>>, %arg12: memref<!tpu.dma_semaphore, #tpu.memory_space<semaphore_mem>>, %arg13: memref<!tpu.dma_semaphore, #tpu.memory_space<semaphore_mem>>, %arg14: memref<!tpu.dma_semaphore, #tpu.memory_space<semaphore_mem>>, %arg15: memref<!tpu.dma_semaphore, #tpu.memory_space<semaphore_mem>>) attributes {dimension_semantics = [#tpu.dimension_semantics<core_parallel>, #tpu.dimension_semantics<subcore_parallel>], iteration_bounds = array<i64: 2, 16>, scalar_prefetch = 0 : i64, scratch_operands = 9 : i64, tpu.core_type = #tpu.core_type<sc_vector_subcore>, window_params = [{transform_indices = #map}, {transform_indices = #map}, {transform_indices = #map1}, {transform_indices = #map}, {transform_indices = #map}]} {
    %mul3A = arith.constant 2 : i32
    %mul3A_0 = arith.muli %arg1, %mul3A : i32
    %add3A = arith.addi %mul3A_0, %arg0 : i32
    %mul3A_1 = arith.constant 512 : i32
    %mul3A_2 = arith.muli %add3A, %mul3A_1 : i32
    "tpu.region"() ({
      %run_scoped3A = tpu.sem_alloc : memref<!tpu.dma_semaphore, #tpu.memory_space<semaphore_mem>>
      %dma_start3A_161 = tpu.memref_slice %arg4[%mul3A_2] : memref<16384xi32, #tpu.memory_space<hbm>> -> memref<512xi32, #tpu.memory_space<hbm>>
      %dma_start3A_162 = tpu.memref_slice %arg4[%mul3A_2] : memref<16384xi32, #tpu.memory_space<hbm>> -> memref<512xi32, #tpu.memory_space<hbm>>
      tpu.enqueue_dma source(%dma_start3A_162 : memref<512xi32, #tpu.memory_space<hbm>>) target(%arg7 : memref<512xi32, #tpu.memory_space<vmem>>) target_semaphore(%run_scoped3A : memref<!tpu.dma_semaphore, #tpu.memory_space<semaphore_mem>>)
      %dma_wait3A_163 = tpu.memref_slice %arg4[%mul3A_2] : memref<16384xi32, #tpu.memory_space<hbm>> -> memref<512xi32, #tpu.memory_space<hbm>>
      %dma_wait3A_164 = tpu.memref_slice %arg4[%mul3A_2] : memref<16384xi32, #tpu.memory_space<hbm>> -> memref<512xi32, #tpu.memory_space<hbm>>
      tpu.wait_dma2 semaphore(%run_scoped3A : memref<!tpu.dma_semaphore, #tpu.memory_space<semaphore_mem>>) src(%dma_wait3A_164 : memref<512xi32, #tpu.memory_space<hbm>>) dst(%arg7 : memref<512xi32, #tpu.memory_space<vmem>>)
      tpu.yield
    }) : () -> ()
    %dma_start3A = arith.constant 0 : i32
    %dma_start3A_3 = tpu.memref_slice %arg7[%dma_start3A] : memref<512xi32, #tpu.memory_space<vmem>> -> memref<128xi32, #tpu.memory_space<vmem>>
    %dma_start3A_4 = arith.constant 0 : i32
    %dma_start3A_5 = arith.constant 0 : i32
    %dma_start3A_6 = tpu.memref_slice %arg2[%dma_start3A_4, %dma_start3A_5] : memref<1000x128xf32, #tpu.memory_space<hbm>> -> memref<1000x128xf32, #tpu.memory_space<hbm>>
    tpu.enqueue_indirect_dma source(%dma_start3A_6 : memref<1000x128xf32, #tpu.memory_space<hbm>>) target(%arg8 : memref<128x128xf32, #tpu.memory_space<vmem>>) offsets(%dma_start3A_3 : memref<128xi32, #tpu.memory_space<vmem>>) semaphore(%arg12 : memref<!tpu.dma_semaphore, #tpu.memory_space<semaphore_mem>>)
    %dma_start3A_7 = arith.constant 0 : i32
    %dma_start3A_8 = tpu.memref_slice %arg7[%dma_start3A_7] : memref<512xi32, #tpu.memory_space<vmem>> -> memref<128xi32, #tpu.memory_space<vmem>>
    %dma_start3A_9 = arith.constant 0 : i32
    %dma_start3A_10 = arith.constant 0 : i32
    %dma_start3A_11 = tpu.memref_slice %arg3[%dma_start3A_9, %dma_start3A_10] : memref<1000x128xf32, #tpu.memory_space<hbm>> -> memref<1000x128xf32, #tpu.memory_space<hbm>>
    tpu.enqueue_indirect_dma source(%dma_start3A_11 : memref<1000x128xf32, #tpu.memory_space<hbm>>) target(%arg9 : memref<128x128xf32, #tpu.memory_space<vmem>>) offsets(%dma_start3A_8 : memref<128xi32, #tpu.memory_space<vmem>>) semaphore(%arg12 : memref<!tpu.dma_semaphore, #tpu.memory_space<semaphore_mem>>)
    %dma_start3A_12 = arith.constant 128 : i32
    %dma_start3A_13 = tpu.memref_slice %arg7[%dma_start3A_12] : memref<512xi32, #tpu.memory_space<vmem>> -> memref<128xi32, #tpu.memory_space<vmem>>
    %dma_start3A_14 = arith.constant 0 : i32
    %dma_start3A_15 = arith.constant 0 : i32
    %dma_start3A_16 = tpu.memref_slice %arg2[%dma_start3A_14, %dma_start3A_15] : memref<1000x128xf32, #tpu.memory_space<hbm>> -> memref<1000x128xf32, #tpu.memory_space<hbm>>
    tpu.enqueue_indirect_dma source(%dma_start3A_16 : memref<1000x128xf32, #tpu.memory_space<hbm>>) target(%arg10 : memref<128x128xf32, #tpu.memory_space<vmem>>) offsets(%dma_start3A_13 : memref<128xi32, #tpu.memory_space<vmem>>) semaphore(%arg13 : memref<!tpu.dma_semaphore, #tpu.memory_space<semaphore_mem>>)
    %dma_start3A_17 = arith.constant 128 : i32
    %dma_start3A_18 = tpu.memref_slice %arg7[%dma_start3A_17] : memref<512xi32, #tpu.memory_space<vmem>> -> memref<128xi32, #tpu.memory_space<vmem>>
    %dma_start3A_19 = arith.constant 0 : i32
    %dma_start3A_20 = arith.constant 0 : i32
    %dma_start3A_21 = tpu.memref_slice %arg3[%dma_start3A_19, %dma_start3A_20] : memref<1000x128xf32, #tpu.memory_space<hbm>> -> memref<1000x128xf32, #tpu.memory_space<hbm>>
    tpu.enqueue_indirect_dma source(%dma_start3A_21 : memref<1000x128xf32, #tpu.memory_space<hbm>>) target(%arg11 : memref<128x128xf32, #tpu.memory_space<vmem>>) offsets(%dma_start3A_18 : memref<128xi32, #tpu.memory_space<vmem>>) semaphore(%arg13 : memref<!tpu.dma_semaphore, #tpu.memory_space<semaphore_mem>>)
    %dma_wait3A = arith.constant 0 : i32
    %dma_wait3A_22 = tpu.memref_slice %arg7[%dma_wait3A] : memref<512xi32, #tpu.memory_space<vmem>> -> memref<128xi32, #tpu.memory_space<vmem>>
    %dma_wait3A_23 = arith.constant 0 : i32
    %dma_wait3A_24 = arith.constant 0 : i32
    %dma_wait3A_25 = tpu.memref_slice %arg2[%dma_wait3A_23, %dma_wait3A_24] : memref<1000x128xf32, #tpu.memory_space<hbm>> -> memref<1000x128xf32, #tpu.memory_space<hbm>>
    tpu.wait_indirect_dma semaphore(%arg12 : memref<!tpu.dma_semaphore, #tpu.memory_space<semaphore_mem>>) src(%dma_wait3A_25 : memref<1000x128xf32, #tpu.memory_space<hbm>>) dst(%arg8 : memref<128x128xf32, #tpu.memory_space<vmem>>)
    %dma_wait3A_26 = arith.constant 0 : i32
    %dma_wait3A_27 = tpu.memref_slice %arg7[%dma_wait3A_26] : memref<512xi32, #tpu.memory_space<vmem>> -> memref<128xi32, #tpu.memory_space<vmem>>
    %dma_wait3A_28 = arith.constant 0 : i32
    %dma_wait3A_29 = arith.constant 0 : i32
    %dma_wait3A_30 = tpu.memref_slice %arg3[%dma_wait3A_28, %dma_wait3A_29] : memref<1000x128xf32, #tpu.memory_space<hbm>> -> memref<1000x128xf32, #tpu.memory_space<hbm>>
    tpu.wait_indirect_dma semaphore(%arg12 : memref<!tpu.dma_semaphore, #tpu.memory_space<semaphore_mem>>) src(%dma_wait3A_30 : memref<1000x128xf32, #tpu.memory_space<hbm>>) dst(%arg9 : memref<128x128xf32, #tpu.memory_space<vmem>>)
    %add3A_31 = arith.constant 0 : i32
    %add3A_32 = arith.addi %mul3A_2, %add3A_31 : i32
    %dma_start3A_33 = arith.constant 0 : i32
    %dma_start3A_34 = tpu.memref_slice %arg5[%add3A_32, %dma_start3A_33] : memref<16384x128xf32, #tpu.memory_space<hbm>> -> memref<128x128xf32, #tpu.memory_space<hbm>>
    %dma_start3A_35 = arith.constant 0 : i32
    %dma_start3A_36 = tpu.memref_slice %arg5[%add3A_32, %dma_start3A_35] : memref<16384x128xf32, #tpu.memory_space<hbm>> -> memref<128x128xf32, #tpu.memory_space<hbm>>
    tpu.enqueue_dma source(%arg8 : memref<128x128xf32, #tpu.memory_space<vmem>>) target(%dma_start3A_36 : memref<128x128xf32, #tpu.memory_space<hbm>>) target_semaphore(%arg14 : memref<!tpu.dma_semaphore, #tpu.memory_space<semaphore_mem>>)
    %add3A_37 = arith.constant 0 : i32
    %add3A_38 = arith.addi %mul3A_2, %add3A_37 : i32
    %dma_start3A_39 = arith.constant 0 : i32
    %dma_start3A_40 = tpu.memref_slice %arg6[%add3A_38, %dma_start3A_39] : memref<16384x128xf32, #tpu.memory_space<hbm>> -> memref<128x128xf32, #tpu.memory_space<hbm>>
    %dma_start3A_41 = arith.constant 0 : i32
    %dma_start3A_42 = tpu.memref_slice %arg6[%add3A_38, %dma_start3A_41] : memref<16384x128xf32, #tpu.memory_space<hbm>> -> memref<128x128xf32, #tpu.memory_space<hbm>>
    tpu.enqueue_dma source(%arg9 : memref<128x128xf32, #tpu.memory_space<vmem>>) target(%dma_start3A_42 : memref<128x128xf32, #tpu.memory_space<hbm>>) target_semaphore(%arg14 : memref<!tpu.dma_semaphore, #tpu.memory_space<semaphore_mem>>)
    %dma_wait3A_43 = arith.constant 0 : i32
    %dma_wait3A_44 = tpu.memref_slice %arg5[%add3A_32, %dma_wait3A_43] : memref<16384x128xf32, #tpu.memory_space<hbm>> -> memref<128x128xf32, #tpu.memory_space<hbm>>
    %dma_wait3A_45 = arith.constant 0 : i32
    %dma_wait3A_46 = tpu.memref_slice %arg5[%add3A_32, %dma_wait3A_45] : memref<16384x128xf32, #tpu.memory_space<hbm>> -> memref<128x128xf32, #tpu.memory_space<hbm>>
    tpu.wait_dma2 semaphore(%arg14 : memref<!tpu.dma_semaphore, #tpu.memory_space<semaphore_mem>>) src(%arg8 : memref<128x128xf32, #tpu.memory_space<vmem>>) dst(%dma_wait3A_46 : memref<128x128xf32, #tpu.memory_space<hbm>>)
    %dma_wait3A_47 = arith.constant 0 : i32
    %dma_wait3A_48 = tpu.memref_slice %arg6[%add3A_38, %dma_wait3A_47] : memref<16384x128xf32, #tpu.memory_space<hbm>> -> memref<128x128xf32, #tpu.memory_space<hbm>>
    %dma_wait3A_49 = arith.constant 0 : i32
    %dma_wait3A_50 = tpu.memref_slice %arg6[%add3A_38, %dma_wait3A_49] : memref<16384x128xf32, #tpu.memory_space<hbm>> -> memref<128x128xf32, #tpu.memory_space<hbm>>
    tpu.wait_dma2 semaphore(%arg14 : memref<!tpu.dma_semaphore, #tpu.memory_space<semaphore_mem>>) src(%arg9 : memref<128x128xf32, #tpu.memory_space<vmem>>) dst(%dma_wait3A_50 : memref<128x128xf32, #tpu.memory_space<hbm>>)
    %dma_start3A_51 = arith.constant 256 : i32
    %dma_start3A_52 = tpu.memref_slice %arg7[%dma_start3A_51] : memref<512xi32, #tpu.memory_space<vmem>> -> memref<128xi32, #tpu.memory_space<vmem>>
    %dma_start3A_53 = arith.constant 0 : i32
    %dma_start3A_54 = arith.constant 0 : i32
    %dma_start3A_55 = tpu.memref_slice %arg2[%dma_start3A_53, %dma_start3A_54] : memref<1000x128xf32, #tpu.memory_space<hbm>> -> memref<1000x128xf32, #tpu.memory_space<hbm>>
    tpu.enqueue_indirect_dma source(%dma_start3A_55 : memref<1000x128xf32, #tpu.memory_space<hbm>>) target(%arg8 : memref<128x128xf32, #tpu.memory_space<vmem>>) offsets(%dma_start3A_52 : memref<128xi32, #tpu.memory_space<vmem>>) semaphore(%arg12 : memref<!tpu.dma_semaphore, #tpu.memory_space<semaphore_mem>>)
    %dma_start3A_56 = arith.constant 256 : i32
    %dma_start3A_57 = tpu.memref_slice %arg7[%dma_start3A_56] : memref<512xi32, #tpu.memory_space<vmem>> -> memref<128xi32, #tpu.memory_space<vmem>>
    %dma_start3A_58 = arith.constant 0 : i32
    %dma_start3A_59 = arith.constant 0 : i32
    %dma_start3A_60 = tpu.memref_slice %arg3[%dma_start3A_58, %dma_start3A_59] : memref<1000x128xf32, #tpu.memory_space<hbm>> -> memref<1000x128xf32, #tpu.memory_space<hbm>>
    tpu.enqueue_indirect_dma source(%dma_start3A_60 : memref<1000x128xf32, #tpu.memory_space<hbm>>) target(%arg9 : memref<128x128xf32, #tpu.memory_space<vmem>>) offsets(%dma_start3A_57 : memref<128xi32, #tpu.memory_space<vmem>>) semaphore(%arg12 : memref<!tpu.dma_semaphore, #tpu.memory_space<semaphore_mem>>)
    %dma_wait3A_61 = arith.constant 128 : i32
    %dma_wait3A_62 = tpu.memref_slice %arg7[%dma_wait3A_61] : memref<512xi32, #tpu.memory_space<vmem>> -> memref<128xi32, #tpu.memory_space<vmem>>
    %dma_wait3A_63 = arith.constant 0 : i32
    %dma_wait3A_64 = arith.constant 0 : i32
    %dma_wait3A_65 = tpu.memref_slice %arg2[%dma_wait3A_63, %dma_wait3A_64] : memref<1000x128xf32, #tpu.memory_space<hbm>> -> memref<1000x128xf32, #tpu.memory_space<hbm>>
    tpu.wait_indirect_dma semaphore(%arg13 : memref<!tpu.dma_semaphore, #tpu.memory_space<semaphore_mem>>) src(%dma_wait3A_65 : memref<1000x128xf32, #tpu.memory_space<hbm>>) dst(%arg10 : memref<128x128xf32, #tpu.memory_space<vmem>>)
    %dma_wait3A_66 = arith.constant 128 : i32
    %dma_wait3A_67 = tpu.memref_slice %arg7[%dma_wait3A_66] : memref<512xi32, #tpu.memory_space<vmem>> -> memref<128xi32, #tpu.memory_space<vmem>>
    %dma_wait3A_68 = arith.constant 0 : i32
    %dma_wait3A_69 = arith.constant 0 : i32
    %dma_wait3A_70 = tpu.memref_slice %arg3[%dma_wait3A_68, %dma_wait3A_69] : memref<1000x128xf32, #tpu.memory_space<hbm>> -> memref<1000x128xf32, #tpu.memory_space<hbm>>
    tpu.wait_indirect_dma semaphore(%arg13 : memref<!tpu.dma_semaphore, #tpu.memory_space<semaphore_mem>>) src(%dma_wait3A_70 : memref<1000x128xf32, #tpu.memory_space<hbm>>) dst(%arg11 : memref<128x128xf32, #tpu.memory_space<vmem>>)
    %add3A_71 = arith.constant 128 : i32
    %add3A_72 = arith.addi %mul3A_2, %add3A_71 : i32
    %dma_start3A_73 = arith.constant 0 : i32
    %dma_start3A_74 = tpu.memref_slice %arg5[%add3A_72, %dma_start3A_73] : memref<16384x128xf32, #tpu.memory_space<hbm>> -> memref<128x128xf32, #tpu.memory_space<hbm>>
    %dma_start3A_75 = arith.constant 0 : i32
    %dma_start3A_76 = tpu.memref_slice %arg5[%add3A_72, %dma_start3A_75] : memref<16384x128xf32, #tpu.memory_space<hbm>> -> memref<128x128xf32, #tpu.memory_space<hbm>>
    tpu.enqueue_dma source(%arg10 : memref<128x128xf32, #tpu.memory_space<vmem>>) target(%dma_start3A_76 : memref<128x128xf32, #tpu.memory_space<hbm>>) target_semaphore(%arg15 : memref<!tpu.dma_semaphore, #tpu.memory_space<semaphore_mem>>)
    %add3A_77 = arith.constant 128 : i32
    %add3A_78 = arith.addi %mul3A_2, %add3A_77 : i32
    %dma_start3A_79 = arith.constant 0 : i32
    %dma_start3A_80 = tpu.memref_slice %arg6[%add3A_78, %dma_start3A_79] : memref<16384x128xf32, #tpu.memory_space<hbm>> -> memref<128x128xf32, #tpu.memory_space<hbm>>
    %dma_start3A_81 = arith.constant 0 : i32
    %dma_start3A_82 = tpu.memref_slice %arg6[%add3A_78, %dma_start3A_81] : memref<16384x128xf32, #tpu.memory_space<hbm>> -> memref<128x128xf32, #tpu.memory_space<hbm>>
    tpu.enqueue_dma source(%arg11 : memref<128x128xf32, #tpu.memory_space<vmem>>) target(%dma_start3A_82 : memref<128x128xf32, #tpu.memory_space<hbm>>) target_semaphore(%arg15 : memref<!tpu.dma_semaphore, #tpu.memory_space<semaphore_mem>>)
    %dma_wait3A_83 = arith.constant 0 : i32
    %dma_wait3A_84 = tpu.memref_slice %arg5[%add3A_72, %dma_wait3A_83] : memref<16384x128xf32, #tpu.memory_space<hbm>> -> memref<128x128xf32, #tpu.memory_space<hbm>>
    %dma_wait3A_85 = arith.constant 0 : i32
    %dma_wait3A_86 = tpu.memref_slice %arg5[%add3A_72, %dma_wait3A_85] : memref<16384x128xf32, #tpu.memory_space<hbm>> -> memref<128x128xf32, #tpu.memory_space<hbm>>
    tpu.wait_dma2 semaphore(%arg15 : memref<!tpu.dma_semaphore, #tpu.memory_space<semaphore_mem>>) src(%arg10 : memref<128x128xf32, #tpu.memory_space<vmem>>) dst(%dma_wait3A_86 : memref<128x128xf32, #tpu.memory_space<hbm>>)
    %dma_wait3A_87 = arith.constant 0 : i32
    %dma_wait3A_88 = tpu.memref_slice %arg6[%add3A_78, %dma_wait3A_87] : memref<16384x128xf32, #tpu.memory_space<hbm>> -> memref<128x128xf32, #tpu.memory_space<hbm>>
    %dma_wait3A_89 = arith.constant 0 : i32
    %dma_wait3A_90 = tpu.memref_slice %arg6[%add3A_78, %dma_wait3A_89] : memref<16384x128xf32, #tpu.memory_space<hbm>> -> memref<128x128xf32, #tpu.memory_space<hbm>>
    tpu.wait_dma2 semaphore(%arg15 : memref<!tpu.dma_semaphore, #tpu.memory_space<semaphore_mem>>) src(%arg11 : memref<128x128xf32, #tpu.memory_space<vmem>>) dst(%dma_wait3A_90 : memref<128x128xf32, #tpu.memory_space<hbm>>)
    %dma_start3A_91 = arith.constant 384 : i32
    %dma_start3A_92 = tpu.memref_slice %arg7[%dma_start3A_91] : memref<512xi32, #tpu.memory_space<vmem>> -> memref<128xi32, #tpu.memory_space<vmem>>
    %dma_start3A_93 = arith.constant 0 : i32
    %dma_start3A_94 = arith.constant 0 : i32
    %dma_start3A_95 = tpu.memref_slice %arg2[%dma_start3A_93, %dma_start3A_94] : memref<1000x128xf32, #tpu.memory_space<hbm>> -> memref<1000x128xf32, #tpu.memory_space<hbm>>
    tpu.enqueue_indirect_dma source(%dma_start3A_95 : memref<1000x128xf32, #tpu.memory_space<hbm>>) target(%arg10 : memref<128x128xf32, #tpu.memory_space<vmem>>) offsets(%dma_start3A_92 : memref<128xi32, #tpu.memory_space<vmem>>) semaphore(%arg13 : memref<!tpu.dma_semaphore, #tpu.memory_space<semaphore_mem>>)
    %dma_start3A_96 = arith.constant 384 : i32
    %dma_start3A_97 = tpu.memref_slice %arg7[%dma_start3A_96] : memref<512xi32, #tpu.memory_space<vmem>> -> memref<128xi32, #tpu.memory_space<vmem>>
    %dma_start3A_98 = arith.constant 0 : i32
    %dma_start3A_99 = arith.constant 0 : i32
    %dma_start3A_100 = tpu.memref_slice %arg3[%dma_start3A_98, %dma_start3A_99] : memref<1000x128xf32, #tpu.memory_space<hbm>> -> memref<1000x128xf32, #tpu.memory_space<hbm>>
    tpu.enqueue_indirect_dma source(%dma_start3A_100 : memref<1000x128xf32, #tpu.memory_space<hbm>>) target(%arg11 : memref<128x128xf32, #tpu.memory_space<vmem>>) offsets(%dma_start3A_97 : memref<128xi32, #tpu.memory_space<vmem>>) semaphore(%arg13 : memref<!tpu.dma_semaphore, #tpu.memory_space<semaphore_mem>>)
    %dma_wait3A_101 = arith.constant 256 : i32
    %dma_wait3A_102 = tpu.memref_slice %arg7[%dma_wait3A_101] : memref<512xi32, #tpu.memory_space<vmem>> -> memref<128xi32, #tpu.memory_space<vmem>>
    %dma_wait3A_103 = arith.constant 0 : i32
    %dma_wait3A_104 = arith.constant 0 : i32
    %dma_wait3A_105 = tpu.memref_slice %arg2[%dma_wait3A_103, %dma_wait3A_104] : memref<1000x128xf32, #tpu.memory_space<hbm>> -> memref<1000x128xf32, #tpu.memory_space<hbm>>
    tpu.wait_indirect_dma semaphore(%arg12 : memref<!tpu.dma_semaphore, #tpu.memory_space<semaphore_mem>>) src(%dma_wait3A_105 : memref<1000x128xf32, #tpu.memory_space<hbm>>) dst(%arg8 : memref<128x128xf32, #tpu.memory_space<vmem>>)
    %dma_wait3A_106 = arith.constant 256 : i32
    %dma_wait3A_107 = tpu.memref_slice %arg7[%dma_wait3A_106] : memref<512xi32, #tpu.memory_space<vmem>> -> memref<128xi32, #tpu.memory_space<vmem>>
    %dma_wait3A_108 = arith.constant 0 : i32
    %dma_wait3A_109 = arith.constant 0 : i32
    %dma_wait3A_110 = tpu.memref_slice %arg3[%dma_wait3A_108, %dma_wait3A_109] : memref<1000x128xf32, #tpu.memory_space<hbm>> -> memref<1000x128xf32, #tpu.memory_space<hbm>>
    tpu.wait_indirect_dma semaphore(%arg12 : memref<!tpu.dma_semaphore, #tpu.memory_space<semaphore_mem>>) src(%dma_wait3A_110 : memref<1000x128xf32, #tpu.memory_space<hbm>>) dst(%arg9 : memref<128x128xf32, #tpu.memory_space<vmem>>)
    %add3A_111 = arith.constant 256 : i32
    %add3A_112 = arith.addi %mul3A_2, %add3A_111 : i32
    %dma_start3A_113 = arith.constant 0 : i32
    %dma_start3A_114 = tpu.memref_slice %arg5[%add3A_112, %dma_start3A_113] : memref<16384x128xf32, #tpu.memory_space<hbm>> -> memref<128x128xf32, #tpu.memory_space<hbm>>
    %dma_start3A_115 = arith.constant 0 : i32
    %dma_start3A_116 = tpu.memref_slice %arg5[%add3A_112, %dma_start3A_115] : memref<16384x128xf32, #tpu.memory_space<hbm>> -> memref<128x128xf32, #tpu.memory_space<hbm>>
    tpu.enqueue_dma source(%arg8 : memref<128x128xf32, #tpu.memory_space<vmem>>) target(%dma_start3A_116 : memref<128x128xf32, #tpu.memory_space<hbm>>) target_semaphore(%arg14 : memref<!tpu.dma_semaphore, #tpu.memory_space<semaphore_mem>>)
    %add3A_117 = arith.constant 256 : i32
    %add3A_118 = arith.addi %mul3A_2, %add3A_117 : i32
    %dma_start3A_119 = arith.constant 0 : i32
    %dma_start3A_120 = tpu.memref_slice %arg6[%add3A_118, %dma_start3A_119] : memref<16384x128xf32, #tpu.memory_space<hbm>> -> memref<128x128xf32, #tpu.memory_space<hbm>>
    %dma_start3A_121 = arith.constant 0 : i32
    %dma_start3A_122 = tpu.memref_slice %arg6[%add3A_118, %dma_start3A_121] : memref<16384x128xf32, #tpu.memory_space<hbm>> -> memref<128x128xf32, #tpu.memory_space<hbm>>
    tpu.enqueue_dma source(%arg9 : memref<128x128xf32, #tpu.memory_space<vmem>>) target(%dma_start3A_122 : memref<128x128xf32, #tpu.memory_space<hbm>>) target_semaphore(%arg14 : memref<!tpu.dma_semaphore, #tpu.memory_space<semaphore_mem>>)
    %dma_wait3A_123 = arith.constant 384 : i32
    %dma_wait3A_124 = tpu.memref_slice %arg7[%dma_wait3A_123] : memref<512xi32, #tpu.memory_space<vmem>> -> memref<128xi32, #tpu.memory_space<vmem>>
    %dma_wait3A_125 = arith.constant 0 : i32
    %dma_wait3A_126 = arith.constant 0 : i32
    %dma_wait3A_127 = tpu.memref_slice %arg2[%dma_wait3A_125, %dma_wait3A_126] : memref<1000x128xf32, #tpu.memory_space<hbm>> -> memref<1000x128xf32, #tpu.memory_space<hbm>>
    tpu.wait_indirect_dma semaphore(%arg13 : memref<!tpu.dma_semaphore, #tpu.memory_space<semaphore_mem>>) src(%dma_wait3A_127 : memref<1000x128xf32, #tpu.memory_space<hbm>>) dst(%arg10 : memref<128x128xf32, #tpu.memory_space<vmem>>)
    %dma_wait3A_128 = arith.constant 384 : i32
    %dma_wait3A_129 = tpu.memref_slice %arg7[%dma_wait3A_128] : memref<512xi32, #tpu.memory_space<vmem>> -> memref<128xi32, #tpu.memory_space<vmem>>
    %dma_wait3A_130 = arith.constant 0 : i32
    %dma_wait3A_131 = arith.constant 0 : i32
    %dma_wait3A_132 = tpu.memref_slice %arg3[%dma_wait3A_130, %dma_wait3A_131] : memref<1000x128xf32, #tpu.memory_space<hbm>> -> memref<1000x128xf32, #tpu.memory_space<hbm>>
    tpu.wait_indirect_dma semaphore(%arg13 : memref<!tpu.dma_semaphore, #tpu.memory_space<semaphore_mem>>) src(%dma_wait3A_132 : memref<1000x128xf32, #tpu.memory_space<hbm>>) dst(%arg11 : memref<128x128xf32, #tpu.memory_space<vmem>>)
    %add3A_133 = arith.constant 384 : i32
    %add3A_134 = arith.addi %mul3A_2, %add3A_133 : i32
    %dma_start3A_135 = arith.constant 0 : i32
    %dma_start3A_136 = tpu.memref_slice %arg5[%add3A_134, %dma_start3A_135] : memref<16384x128xf32, #tpu.memory_space<hbm>> -> memref<128x128xf32, #tpu.memory_space<hbm>>
    %dma_start3A_137 = arith.constant 0 : i32
    %dma_start3A_138 = tpu.memref_slice %arg5[%add3A_134, %dma_start3A_137] : memref<16384x128xf32, #tpu.memory_space<hbm>> -> memref<128x128xf32, #tpu.memory_space<hbm>>
    tpu.enqueue_dma source(%arg10 : memref<128x128xf32, #tpu.memory_space<vmem>>) target(%dma_start3A_138 : memref<128x128xf32, #tpu.memory_space<hbm>>) target_semaphore(%arg15 : memref<!tpu.dma_semaphore, #tpu.memory_space<semaphore_mem>>)
    %add3A_139 = arith.constant 384 : i32
    %add3A_140 = arith.addi %mul3A_2, %add3A_139 : i32
    %dma_start3A_141 = arith.constant 0 : i32
    %dma_start3A_142 = tpu.memref_slice %arg6[%add3A_140, %dma_start3A_141] : memref<16384x128xf32, #tpu.memory_space<hbm>> -> memref<128x128xf32, #tpu.memory_space<hbm>>
    %dma_start3A_143 = arith.constant 0 : i32
    %dma_start3A_144 = tpu.memref_slice %arg6[%add3A_140, %dma_start3A_143] : memref<16384x128xf32, #tpu.memory_space<hbm>> -> memref<128x128xf32, #tpu.memory_space<hbm>>
    tpu.enqueue_dma source(%arg11 : memref<128x128xf32, #tpu.memory_space<vmem>>) target(%dma_start3A_144 : memref<128x128xf32, #tpu.memory_space<hbm>>) target_semaphore(%arg15 : memref<!tpu.dma_semaphore, #tpu.memory_space<semaphore_mem>>)
    %dma_wait3A_145 = arith.constant 0 : i32
    %dma_wait3A_146 = tpu.memref_slice %arg5[%add3A_112, %dma_wait3A_145] : memref<16384x128xf32, #tpu.memory_space<hbm>> -> memref<128x128xf32, #tpu.memory_space<hbm>>
    %dma_wait3A_147 = arith.constant 0 : i32
    %dma_wait3A_148 = tpu.memref_slice %arg5[%add3A_112, %dma_wait3A_147] : memref<16384x128xf32, #tpu.memory_space<hbm>> -> memref<128x128xf32, #tpu.memory_space<hbm>>
    tpu.wait_dma2 semaphore(%arg14 : memref<!tpu.dma_semaphore, #tpu.memory_space<semaphore_mem>>) src(%arg8 : memref<128x128xf32, #tpu.memory_space<vmem>>) dst(%dma_wait3A_148 : memref<128x128xf32, #tpu.memory_space<hbm>>)
    %dma_wait3A_149 = arith.constant 0 : i32
    %dma_wait3A_150 = tpu.memref_slice %arg6[%add3A_118, %dma_wait3A_149] : memref<16384x128xf32, #tpu.memory_space<hbm>> -> memref<128x128xf32, #tpu.memory_space<hbm>>
    %dma_wait3A_151 = arith.constant 0 : i32
    %dma_wait3A_152 = tpu.memref_slice %arg6[%add3A_118, %dma_wait3A_151] : memref<16384x128xf32, #tpu.memory_space<hbm>> -> memref<128x128xf32, #tpu.memory_space<hbm>>
    tpu.wait_dma2 semaphore(%arg14 : memref<!tpu.dma_semaphore, #tpu.memory_space<semaphore_mem>>) src(%arg9 : memref<128x128xf32, #tpu.memory_space<vmem>>) dst(%dma_wait3A_152 : memref<128x128xf32, #tpu.memory_space<hbm>>)
    %dma_wait3A_153 = arith.constant 0 : i32
    %dma_wait3A_154 = tpu.memref_slice %arg5[%add3A_134, %dma_wait3A_153] : memref<16384x128xf32, #tpu.memory_space<hbm>> -> memref<128x128xf32, #tpu.memory_space<hbm>>
    %dma_wait3A_155 = arith.constant 0 : i32
    %dma_wait3A_156 = tpu.memref_slice %arg5[%add3A_134, %dma_wait3A_155] : memref<16384x128xf32, #tpu.memory_space<hbm>> -> memref<128x128xf32, #tpu.memory_space<hbm>>
    tpu.wait_dma2 semaphore(%arg15 : memref<!tpu.dma_semaphore, #tpu.memory_space<semaphore_mem>>) src(%arg10 : memref<128x128xf32, #tpu.memory_space<vmem>>) dst(%dma_wait3A_156 : memref<128x128xf32, #tpu.memory_space<hbm>>)
    %dma_wait3A_157 = arith.constant 0 : i32
    %dma_wait3A_158 = tpu.memref_slice %arg6[%add3A_140, %dma_wait3A_157] : memref<16384x128xf32, #tpu.memory_space<hbm>> -> memref<128x128xf32, #tpu.memory_space<hbm>>
    %dma_wait3A_159 = arith.constant 0 : i32
    %dma_wait3A_160 = tpu.memref_slice %arg6[%add3A_140, %dma_wait3A_159] : memref<16384x128xf32, #tpu.memory_space<hbm>> -> memref<128x128xf32, #tpu.memory_space<hbm>>
    tpu.wait_dma2 semaphore(%arg15 : memref<!tpu.dma_semaphore, #tpu.memory_space<semaphore_mem>>) src(%arg11 : memref<128x128xf32, #tpu.memory_space<vmem>>) dst(%dma_wait3A_160 : memref<128x128xf32, #tpu.memory_space<hbm>>)
    return
  }
}

module attributes {stable_mosaic.version = 14 : i64} {
  func.func @_mlp_sample_body(%arg0: i32, %arg1: memref<2xi32, #tpu.memory_space<smem>>, %arg2: memref<1024x128xf32, #tpu.memory_space<vmem>>, %arg3: memref<128x1024xf32, #tpu.memory_space<vmem>>, %arg4: memref<1x1024xf32, #tpu.memory_space<vmem>>, %arg5: memref<1024x1024xf32, #tpu.memory_space<vmem>>, %arg6: memref<1x1024xf32, #tpu.memory_space<vmem>>, %arg7: memref<1024x1000xf32, #tpu.memory_space<vmem>>, %arg8: memref<1x1000xf32, #tpu.memory_space<vmem>>, %arg9: memref<1x1x1024xi32, #tpu.memory_space<vmem>>, %arg10: memref<1x1x1024xf32, #tpu.memory_space<vmem>>) attributes {dimension_semantics = [#tpu.dimension_semantics<parallel>], iteration_bounds = array<i64: 16>, scalar_prefetch = 0 : i64, scratch_operands = 0 : i64, tpu.core_type = #tpu.core_type<tc>, window_params = [{transform_indices = @transform_0, window_bounds = array<i64: 2>}, {transform_indices = @transform_1, window_bounds = array<i64: 1024, 128>}, {pipeline_mode = #tpu.pipeline_mode<synchronous>, transform_indices = @transform_2, window_bounds = array<i64: 128, 1024>}, {pipeline_mode = #tpu.pipeline_mode<synchronous>, transform_indices = @transform_3, window_bounds = array<i64: 1, 1024>}, {pipeline_mode = #tpu.pipeline_mode<synchronous>, transform_indices = @transform_4, window_bounds = array<i64: 1024, 1024>}, {pipeline_mode = #tpu.pipeline_mode<synchronous>, transform_indices = @transform_5, window_bounds = array<i64: 1, 1024>}, {pipeline_mode = #tpu.pipeline_mode<synchronous>, transform_indices = @transform_6, window_bounds = array<i64: 1024, 1000>}, {pipeline_mode = #tpu.pipeline_mode<synchronous>, transform_indices = @transform_7, window_bounds = array<i64: 1, 1000>}, {transform_indices = @transform_8, window_bounds = array<i64: 1, 1, 1024>}, {transform_indices = @transform_9, window_bounds = array<i64: 1, 1, 1024>}]} {
    %get3A = arith.constant 0 : index
    %get3A_0 = memref.load %arg1[%get3A] : memref<2xi32, #tpu.memory_space<smem>>
    %get3A_1 = arith.constant 1 : index
    %get3A_2 = memref.load %arg1[%get3A_1] : memref<2xi32, #tpu.memory_space<smem>>
    %mul3A = arith.constant 1024 : i32
    %mul3A_3 = arith.muli %arg0, %mul3A : i32
    %get3A_4 = arith.constant 0 : index
    %get3A_5 = arith.constant 0 : index
    %get3A_6 = vector.load %arg2[%get3A_4, %get3A_5] : memref<1024x128xf32, #tpu.memory_space<vmem>>, vector<1024x128xf32>
    %get3A_7 = arith.constant 0 : index
    %get3A_8 = arith.constant 0 : index
    %get3A_9 = vector.load %arg3[%get3A_7, %get3A_8] : memref<128x1024xf32, #tpu.memory_space<vmem>>, vector<128x1024xf32>
    %dot_general3A = arith.constant dense<0.000000e+00> : vector<1024x1024xf32>
    %dot_general3A_10 = tpu.matmul %get3A_6, %get3A_9, %dot_general3A {dimension_numbers = #tpu.dot_dimension_numbers<[1], [0], [0], [1], [0, 0, 1, 1], [], []>, transpose_lhs_hint = false} : vector<1024x128xf32>, vector<128x1024xf32>, vector<1024x1024xf32> -> vector<1024x1024xf32>
    %get3A_11 = arith.constant 0 : index
    %get3A_12 = arith.constant 0 : index
    %get3A_13 = vector.load %arg4[%get3A_11, %get3A_12] : memref<1x1024xf32, #tpu.memory_space<vmem>>, vector<1x1024xf32>
    %add3A = vector.broadcast %get3A_13 : vector<1x1024xf32> to vector<1024x1024xf32>
    %add3A_14 = arith.addf %dot_general3A_10, %add3A : vector<1024x1024xf32>
    %max3A = arith.constant 0.000000e+00 : f32
    %max3A_15 = vector.broadcast %max3A : f32 to vector<1024x1024xf32>
    %max3A_16 = arith.maximumf %add3A_14, %max3A_15 : vector<1024x1024xf32>
    %get3A_17 = arith.constant 0 : index
    %get3A_18 = arith.constant 0 : index
    %get3A_19 = vector.load %arg5[%get3A_17, %get3A_18] : memref<1024x1024xf32, #tpu.memory_space<vmem>>, vector<1024x1024xf32>
    %dot_general3A_20 = arith.constant dense<0.000000e+00> : vector<1024x1024xf32>
    %dot_general3A_21 = tpu.matmul %max3A_16, %get3A_19, %dot_general3A_20 {dimension_numbers = #tpu.dot_dimension_numbers<[1], [0], [0], [1], [0, 0, 1, 1], [], []>, transpose_lhs_hint = false} : vector<1024x1024xf32>, vector<1024x1024xf32>, vector<1024x1024xf32> -> vector<1024x1024xf32>
    %get3A_22 = arith.constant 0 : index
    %get3A_23 = arith.constant 0 : index
    %get3A_24 = vector.load %arg6[%get3A_22, %get3A_23] : memref<1x1024xf32, #tpu.memory_space<vmem>>, vector<1x1024xf32>
    %add3A_25 = vector.broadcast %get3A_24 : vector<1x1024xf32> to vector<1024x1024xf32>
    %add3A_26 = arith.addf %dot_general3A_21, %add3A_25 : vector<1024x1024xf32>
    %max3A_27 = arith.constant 0.000000e+00 : f32
    %max3A_28 = vector.broadcast %max3A_27 : f32 to vector<1024x1024xf32>
    %max3A_29 = arith.maximumf %add3A_26, %max3A_28 : vector<1024x1024xf32>
    %get3A_30 = arith.constant 0 : index
    %get3A_31 = arith.constant 0 : index
    %get3A_32 = vector.load %arg7[%get3A_30, %get3A_31] : memref<1024x1000xf32, #tpu.memory_space<vmem>>, vector<1024x1000xf32>
    %dot_general3A_33 = arith.constant dense<0.000000e+00> : vector<1024x1000xf32>
    %dot_general3A_34 = tpu.matmul %max3A_29, %get3A_32, %dot_general3A_33 {dimension_numbers = #tpu.dot_dimension_numbers<[1], [0], [0], [1], [0, 0, 1, 1], [], []>, transpose_lhs_hint = false} : vector<1024x1024xf32>, vector<1024x1000xf32>, vector<1024x1000xf32> -> vector<1024x1000xf32>
    %get3A_35 = arith.constant 0 : index
    %get3A_36 = arith.constant 0 : index
    %get3A_37 = vector.load %arg8[%get3A_35, %get3A_36] : memref<1x1000xf32, #tpu.memory_space<vmem>>, vector<1x1000xf32>
    %add3A_38 = vector.broadcast %get3A_37 : vector<1x1000xf32> to vector<1024x1000xf32>
    %add3A_39 = arith.addf %dot_general3A_34, %add3A_38 : vector<1024x1000xf32>
    %iota3A = tpu.iota {dimensions = array<i32: 1>} : vector<1024x1000xi32>
    %iota3A_40 = tpu.iota {dimensions = array<i32: 0>} : vector<1024x1000xi32>
    %add3A_41 = vector.broadcast %mul3A_3 : i32 to vector<1024x1000xi32>
    %add3A_42 = arith.addi %add3A_41, %iota3A_40 : vector<1024x1000xi32>
    %mul3A_43 = arith.constant 1000 : i32
    %mul3A_44 = vector.broadcast %mul3A_43 : i32 to vector<1024x1000xi32>
    %mul3A_45 = arith.muli %add3A_42, %mul3A_44 : vector<1024x1000xi32>
    %add3A_46 = arith.addi %mul3A_45, %iota3A : vector<1024x1000xi32>
    %xor3A = arith.xori %get3A_0, %get3A_2 : i32
    %xor3A_47 = arith.constant 466688986 : i32
    %xor3A_48 = arith.xori %xor3A, %xor3A_47 : i32
    %broadcast_in_dim3A = vector.broadcast %get3A_0 : i32 to vector<1024x1000xi32>
    %add3A_49 = vector.broadcast %get3A_2 : i32 to vector<1024x1000xi32>
    %add3A_50 = arith.addi %add3A_46, %add3A_49 : vector<1024x1000xi32>
    %add3A_51 = arith.addi %broadcast_in_dim3A, %add3A_50 : vector<1024x1000xi32>
    %shift_left3A = arith.constant 13 : i32
    %shift_left3A_52 = vector.broadcast %shift_left3A : i32 to vector<1024x1000xi32>
    %shift_left3A_53 = arith.shli %add3A_50, %shift_left3A_52 : vector<1024x1000xi32>
    %shift_right_logical3A = arith.constant 19 : i32
    %shift_right_logical3A_54 = vector.broadcast %shift_right_logical3A : i32 to vector<1024x1000xi32>
    %shift_right_logical3A_55 = arith.shrui %add3A_50, %shift_right_logical3A_54 : vector<1024x1000xi32>
    %or3A = arith.ori %shift_left3A_53, %shift_right_logical3A_55 : vector<1024x1000xi32>
    %xor3A_56 = arith.xori %add3A_51, %or3A : vector<1024x1000xi32>
    %add3A_57 = arith.addi %add3A_51, %xor3A_56 : vector<1024x1000xi32>
    %shift_left3A_58 = arith.constant 15 : i32
    %shift_left3A_59 = vector.broadcast %shift_left3A_58 : i32 to vector<1024x1000xi32>
    %shift_left3A_60 = arith.shli %xor3A_56, %shift_left3A_59 : vector<1024x1000xi32>
    %shift_right_logical3A_61 = arith.constant 17 : i32
    %shift_right_logical3A_62 = vector.broadcast %shift_right_logical3A_61 : i32 to vector<1024x1000xi32>
    %shift_right_logical3A_63 = arith.shrui %xor3A_56, %shift_right_logical3A_62 : vector<1024x1000xi32>
    %or3A_64 = arith.ori %shift_left3A_60, %shift_right_logical3A_63 : vector<1024x1000xi32>
    %xor3A_65 = arith.xori %add3A_57, %or3A_64 : vector<1024x1000xi32>
    %add3A_66 = arith.addi %add3A_57, %xor3A_65 : vector<1024x1000xi32>
    %shift_left3A_67 = arith.constant 26 : i32
    %shift_left3A_68 = vector.broadcast %shift_left3A_67 : i32 to vector<1024x1000xi32>
    %shift_left3A_69 = arith.shli %xor3A_65, %shift_left3A_68 : vector<1024x1000xi32>
    %shift_right_logical3A_70 = arith.constant 6 : i32
    %shift_right_logical3A_71 = vector.broadcast %shift_right_logical3A_70 : i32 to vector<1024x1000xi32>
    %shift_right_logical3A_72 = arith.shrui %xor3A_65, %shift_right_logical3A_71 : vector<1024x1000xi32>
    %or3A_73 = arith.ori %shift_left3A_69, %shift_right_logical3A_72 : vector<1024x1000xi32>
    %xor3A_74 = arith.xori %add3A_66, %or3A_73 : vector<1024x1000xi32>
    %add3A_75 = arith.addi %add3A_66, %xor3A_74 : vector<1024x1000xi32>
    %shift_left3A_76 = arith.constant 6 : i32
    %shift_left3A_77 = vector.broadcast %shift_left3A_76 : i32 to vector<1024x1000xi32>
    %shift_left3A_78 = arith.shli %xor3A_74, %shift_left3A_77 : vector<1024x1000xi32>
    %shift_right_logical3A_79 = arith.constant 26 : i32
    %shift_right_logical3A_80 = vector.broadcast %shift_right_logical3A_79 : i32 to vector<1024x1000xi32>
    %shift_right_logical3A_81 = arith.shrui %xor3A_74, %shift_right_logical3A_80 : vector<1024x1000xi32>
    %or3A_82 = arith.ori %shift_left3A_78, %shift_right_logical3A_81 : vector<1024x1000xi32>
    %xor3A_83 = arith.xori %add3A_75, %or3A_82 : vector<1024x1000xi32>
    %add3A_84 = vector.broadcast %get3A_2 : i32 to vector<1024x1000xi32>
    %add3A_85 = arith.addi %add3A_75, %add3A_84 : vector<1024x1000xi32>
    %add3A_86 = arith.constant 1 : i32
    %add3A_87 = arith.addi %xor3A_48, %add3A_86 : i32
    %add3A_88 = vector.broadcast %add3A_87 : i32 to vector<1024x1000xi32>
    %add3A_89 = arith.addi %xor3A_83, %add3A_88 : vector<1024x1000xi32>
    %add3A_90 = arith.addi %add3A_85, %add3A_89 : vector<1024x1000xi32>
    %shift_left3A_91 = arith.constant 17 : i32
    %shift_left3A_92 = vector.broadcast %shift_left3A_91 : i32 to vector<1024x1000xi32>
    %shift_left3A_93 = arith.shli %add3A_89, %shift_left3A_92 : vector<1024x1000xi32>
    %shift_right_logical3A_94 = arith.constant 15 : i32
    %shift_right_logical3A_95 = vector.broadcast %shift_right_logical3A_94 : i32 to vector<1024x1000xi32>
    %shift_right_logical3A_96 = arith.shrui %add3A_89, %shift_right_logical3A_95 : vector<1024x1000xi32>
    %or3A_97 = arith.ori %shift_left3A_93, %shift_right_logical3A_96 : vector<1024x1000xi32>
    %xor3A_98 = arith.xori %add3A_90, %or3A_97 : vector<1024x1000xi32>
    %add3A_99 = arith.addi %add3A_90, %xor3A_98 : vector<1024x1000xi32>
    %shift_left3A_100 = arith.constant 29 : i32
    %shift_left3A_101 = vector.broadcast %shift_left3A_100 : i32 to vector<1024x1000xi32>
    %shift_left3A_102 = arith.shli %xor3A_98, %shift_left3A_101 : vector<1024x1000xi32>
    %shift_right_logical3A_103 = arith.constant 3 : i32
    %shift_right_logical3A_104 = vector.broadcast %shift_right_logical3A_103 : i32 to vector<1024x1000xi32>
    %shift_right_logical3A_105 = arith.shrui %xor3A_98, %shift_right_logical3A_104 : vector<1024x1000xi32>
    %or3A_106 = arith.ori %shift_left3A_102, %shift_right_logical3A_105 : vector<1024x1000xi32>
    %xor3A_107 = arith.xori %add3A_99, %or3A_106 : vector<1024x1000xi32>
    %add3A_108 = arith.addi %add3A_99, %xor3A_107 : vector<1024x1000xi32>
    %shift_left3A_109 = arith.constant 16 : i32
    %shift_left3A_110 = vector.broadcast %shift_left3A_109 : i32 to vector<1024x1000xi32>
    %shift_left3A_111 = arith.shli %xor3A_107, %shift_left3A_110 : vector<1024x1000xi32>
    %shift_right_logical3A_112 = arith.constant 16 : i32
    %shift_right_logical3A_113 = vector.broadcast %shift_right_logical3A_112 : i32 to vector<1024x1000xi32>
    %shift_right_logical3A_114 = arith.shrui %xor3A_107, %shift_right_logical3A_113 : vector<1024x1000xi32>
    %or3A_115 = arith.ori %shift_left3A_111, %shift_right_logical3A_114 : vector<1024x1000xi32>
    %xor3A_116 = arith.xori %add3A_108, %or3A_115 : vector<1024x1000xi32>
    %add3A_117 = arith.addi %add3A_108, %xor3A_116 : vector<1024x1000xi32>
    %shift_left3A_118 = arith.constant 24 : i32
    %shift_left3A_119 = vector.broadcast %shift_left3A_118 : i32 to vector<1024x1000xi32>
    %shift_left3A_120 = arith.shli %xor3A_116, %shift_left3A_119 : vector<1024x1000xi32>
    %shift_right_logical3A_121 = arith.constant 8 : i32
    %shift_right_logical3A_122 = vector.broadcast %shift_right_logical3A_121 : i32 to vector<1024x1000xi32>
    %shift_right_logical3A_123 = arith.shrui %xor3A_116, %shift_right_logical3A_122 : vector<1024x1000xi32>
    %or3A_124 = arith.ori %shift_left3A_120, %shift_right_logical3A_123 : vector<1024x1000xi32>
    %xor3A_125 = arith.xori %add3A_117, %or3A_124 : vector<1024x1000xi32>
    %add3A_126 = vector.broadcast %xor3A_48 : i32 to vector<1024x1000xi32>
    %add3A_127 = arith.addi %add3A_117, %add3A_126 : vector<1024x1000xi32>
    %add3A_128 = arith.constant 2 : i32
    %add3A_129 = arith.addi %get3A_0, %add3A_128 : i32
    %add3A_130 = vector.broadcast %add3A_129 : i32 to vector<1024x1000xi32>
    %add3A_131 = arith.addi %xor3A_125, %add3A_130 : vector<1024x1000xi32>
    %add3A_132 = arith.addi %add3A_127, %add3A_131 : vector<1024x1000xi32>
    %shift_left3A_133 = arith.constant 13 : i32
    %shift_left3A_134 = vector.broadcast %shift_left3A_133 : i32 to vector<1024x1000xi32>
    %shift_left3A_135 = arith.shli %add3A_131, %shift_left3A_134 : vector<1024x1000xi32>
    %shift_right_logical3A_136 = arith.constant 19 : i32
    %shift_right_logical3A_137 = vector.broadcast %shift_right_logical3A_136 : i32 to vector<1024x1000xi32>
    %shift_right_logical3A_138 = arith.shrui %add3A_131, %shift_right_logical3A_137 : vector<1024x1000xi32>
    %or3A_139 = arith.ori %shift_left3A_135, %shift_right_logical3A_138 : vector<1024x1000xi32>
    %xor3A_140 = arith.xori %add3A_132, %or3A_139 : vector<1024x1000xi32>
    %add3A_141 = arith.addi %add3A_132, %xor3A_140 : vector<1024x1000xi32>
    %shift_left3A_142 = arith.constant 15 : i32
    %shift_left3A_143 = vector.broadcast %shift_left3A_142 : i32 to vector<1024x1000xi32>
    %shift_left3A_144 = arith.shli %xor3A_140, %shift_left3A_143 : vector<1024x1000xi32>
    %shift_right_logical3A_145 = arith.constant 17 : i32
    %shift_right_logical3A_146 = vector.broadcast %shift_right_logical3A_145 : i32 to vector<1024x1000xi32>
    %shift_right_logical3A_147 = arith.shrui %xor3A_140, %shift_right_logical3A_146 : vector<1024x1000xi32>
    %or3A_148 = arith.ori %shift_left3A_144, %shift_right_logical3A_147 : vector<1024x1000xi32>
    %xor3A_149 = arith.xori %add3A_141, %or3A_148 : vector<1024x1000xi32>
    %add3A_150 = arith.addi %add3A_141, %xor3A_149 : vector<1024x1000xi32>
    %shift_left3A_151 = arith.constant 26 : i32
    %shift_left3A_152 = vector.broadcast %shift_left3A_151 : i32 to vector<1024x1000xi32>
    %shift_left3A_153 = arith.shli %xor3A_149, %shift_left3A_152 : vector<1024x1000xi32>
    %shift_right_logical3A_154 = arith.constant 6 : i32
    %shift_right_logical3A_155 = vector.broadcast %shift_right_logical3A_154 : i32 to vector<1024x1000xi32>
    %shift_right_logical3A_156 = arith.shrui %xor3A_149, %shift_right_logical3A_155 : vector<1024x1000xi32>
    %or3A_157 = arith.ori %shift_left3A_153, %shift_right_logical3A_156 : vector<1024x1000xi32>
    %xor3A_158 = arith.xori %add3A_150, %or3A_157 : vector<1024x1000xi32>
    %add3A_159 = arith.addi %add3A_150, %xor3A_158 : vector<1024x1000xi32>
    %shift_left3A_160 = arith.constant 6 : i32
    %shift_left3A_161 = vector.broadcast %shift_left3A_160 : i32 to vector<1024x1000xi32>
    %shift_left3A_162 = arith.shli %xor3A_158, %shift_left3A_161 : vector<1024x1000xi32>
    %shift_right_logical3A_163 = arith.constant 26 : i32
    %shift_right_logical3A_164 = vector.broadcast %shift_right_logical3A_163 : i32 to vector<1024x1000xi32>
    %shift_right_logical3A_165 = arith.shrui %xor3A_158, %shift_right_logical3A_164 : vector<1024x1000xi32>
    %or3A_166 = arith.ori %shift_left3A_162, %shift_right_logical3A_165 : vector<1024x1000xi32>
    %xor3A_167 = arith.xori %add3A_159, %or3A_166 : vector<1024x1000xi32>
    %add3A_168 = vector.broadcast %get3A_0 : i32 to vector<1024x1000xi32>
    %add3A_169 = arith.addi %add3A_159, %add3A_168 : vector<1024x1000xi32>
    %add3A_170 = arith.constant 3 : i32
    %add3A_171 = arith.addi %get3A_2, %add3A_170 : i32
    %add3A_172 = vector.broadcast %add3A_171 : i32 to vector<1024x1000xi32>
    %add3A_173 = arith.addi %xor3A_167, %add3A_172 : vector<1024x1000xi32>
    %add3A_174 = arith.addi %add3A_169, %add3A_173 : vector<1024x1000xi32>
    %shift_left3A_175 = arith.constant 17 : i32
    %shift_left3A_176 = vector.broadcast %shift_left3A_175 : i32 to vector<1024x1000xi32>
    %shift_left3A_177 = arith.shli %add3A_173, %shift_left3A_176 : vector<1024x1000xi32>
    %shift_right_logical3A_178 = arith.constant 15 : i32
    %shift_right_logical3A_179 = vector.broadcast %shift_right_logical3A_178 : i32 to vector<1024x1000xi32>
    %shift_right_logical3A_180 = arith.shrui %add3A_173, %shift_right_logical3A_179 : vector<1024x1000xi32>
    %or3A_181 = arith.ori %shift_left3A_177, %shift_right_logical3A_180 : vector<1024x1000xi32>
    %xor3A_182 = arith.xori %add3A_174, %or3A_181 : vector<1024x1000xi32>
    %add3A_183 = arith.addi %add3A_174, %xor3A_182 : vector<1024x1000xi32>
    %shift_left3A_184 = arith.constant 29 : i32
    %shift_left3A_185 = vector.broadcast %shift_left3A_184 : i32 to vector<1024x1000xi32>
    %shift_left3A_186 = arith.shli %xor3A_182, %shift_left3A_185 : vector<1024x1000xi32>
    %shift_right_logical3A_187 = arith.constant 3 : i32
    %shift_right_logical3A_188 = vector.broadcast %shift_right_logical3A_187 : i32 to vector<1024x1000xi32>
    %shift_right_logical3A_189 = arith.shrui %xor3A_182, %shift_right_logical3A_188 : vector<1024x1000xi32>
    %or3A_190 = arith.ori %shift_left3A_186, %shift_right_logical3A_189 : vector<1024x1000xi32>
    %xor3A_191 = arith.xori %add3A_183, %or3A_190 : vector<1024x1000xi32>
    %add3A_192 = arith.addi %add3A_183, %xor3A_191 : vector<1024x1000xi32>
    %shift_left3A_193 = arith.constant 16 : i32
    %shift_left3A_194 = vector.broadcast %shift_left3A_193 : i32 to vector<1024x1000xi32>
    %shift_left3A_195 = arith.shli %xor3A_191, %shift_left3A_194 : vector<1024x1000xi32>
    %shift_right_logical3A_196 = arith.constant 16 : i32
    %shift_right_logical3A_197 = vector.broadcast %shift_right_logical3A_196 : i32 to vector<1024x1000xi32>
    %shift_right_logical3A_198 = arith.shrui %xor3A_191, %shift_right_logical3A_197 : vector<1024x1000xi32>
    %or3A_199 = arith.ori %shift_left3A_195, %shift_right_logical3A_198 : vector<1024x1000xi32>
    %xor3A_200 = arith.xori %add3A_192, %or3A_199 : vector<1024x1000xi32>
    %add3A_201 = arith.addi %add3A_192, %xor3A_200 : vector<1024x1000xi32>
    %shift_left3A_202 = arith.constant 24 : i32
    %shift_left3A_203 = vector.broadcast %shift_left3A_202 : i32 to vector<1024x1000xi32>
    %shift_left3A_204 = arith.shli %xor3A_200, %shift_left3A_203 : vector<1024x1000xi32>
    %shift_right_logical3A_205 = arith.constant 8 : i32
    %shift_right_logical3A_206 = vector.broadcast %shift_right_logical3A_205 : i32 to vector<1024x1000xi32>
    %shift_right_logical3A_207 = arith.shrui %xor3A_200, %shift_right_logical3A_206 : vector<1024x1000xi32>
    %or3A_208 = arith.ori %shift_left3A_204, %shift_right_logical3A_207 : vector<1024x1000xi32>
    %xor3A_209 = arith.xori %add3A_201, %or3A_208 : vector<1024x1000xi32>
    %add3A_210 = vector.broadcast %get3A_2 : i32 to vector<1024x1000xi32>
    %add3A_211 = arith.addi %add3A_201, %add3A_210 : vector<1024x1000xi32>
    %add3A_212 = arith.constant 4 : i32
    %add3A_213 = arith.addi %xor3A_48, %add3A_212 : i32
    %add3A_214 = vector.broadcast %add3A_213 : i32 to vector<1024x1000xi32>
    %add3A_215 = arith.addi %xor3A_209, %add3A_214 : vector<1024x1000xi32>
    %add3A_216 = arith.addi %add3A_211, %add3A_215 : vector<1024x1000xi32>
    %shift_left3A_217 = arith.constant 13 : i32
    %shift_left3A_218 = vector.broadcast %shift_left3A_217 : i32 to vector<1024x1000xi32>
    %shift_left3A_219 = arith.shli %add3A_215, %shift_left3A_218 : vector<1024x1000xi32>
    %shift_right_logical3A_220 = arith.constant 19 : i32
    %shift_right_logical3A_221 = vector.broadcast %shift_right_logical3A_220 : i32 to vector<1024x1000xi32>
    %shift_right_logical3A_222 = arith.shrui %add3A_215, %shift_right_logical3A_221 : vector<1024x1000xi32>
    %or3A_223 = arith.ori %shift_left3A_219, %shift_right_logical3A_222 : vector<1024x1000xi32>
    %xor3A_224 = arith.xori %add3A_216, %or3A_223 : vector<1024x1000xi32>
    %add3A_225 = arith.addi %add3A_216, %xor3A_224 : vector<1024x1000xi32>
    %shift_left3A_226 = arith.constant 15 : i32
    %shift_left3A_227 = vector.broadcast %shift_left3A_226 : i32 to vector<1024x1000xi32>
    %shift_left3A_228 = arith.shli %xor3A_224, %shift_left3A_227 : vector<1024x1000xi32>
    %shift_right_logical3A_229 = arith.constant 17 : i32
    %shift_right_logical3A_230 = vector.broadcast %shift_right_logical3A_229 : i32 to vector<1024x1000xi32>
    %shift_right_logical3A_231 = arith.shrui %xor3A_224, %shift_right_logical3A_230 : vector<1024x1000xi32>
    %or3A_232 = arith.ori %shift_left3A_228, %shift_right_logical3A_231 : vector<1024x1000xi32>
    %xor3A_233 = arith.xori %add3A_225, %or3A_232 : vector<1024x1000xi32>
    %add3A_234 = arith.addi %add3A_225, %xor3A_233 : vector<1024x1000xi32>
    %shift_left3A_235 = arith.constant 26 : i32
    %shift_left3A_236 = vector.broadcast %shift_left3A_235 : i32 to vector<1024x1000xi32>
    %shift_left3A_237 = arith.shli %xor3A_233, %shift_left3A_236 : vector<1024x1000xi32>
    %shift_right_logical3A_238 = arith.constant 6 : i32
    %shift_right_logical3A_239 = vector.broadcast %shift_right_logical3A_238 : i32 to vector<1024x1000xi32>
    %shift_right_logical3A_240 = arith.shrui %xor3A_233, %shift_right_logical3A_239 : vector<1024x1000xi32>
    %or3A_241 = arith.ori %shift_left3A_237, %shift_right_logical3A_240 : vector<1024x1000xi32>
    %xor3A_242 = arith.xori %add3A_234, %or3A_241 : vector<1024x1000xi32>
    %add3A_243 = arith.addi %add3A_234, %xor3A_242 : vector<1024x1000xi32>
    %shift_left3A_244 = arith.constant 6 : i32
    %shift_left3A_245 = vector.broadcast %shift_left3A_244 : i32 to vector<1024x1000xi32>
    %shift_left3A_246 = arith.shli %xor3A_242, %shift_left3A_245 : vector<1024x1000xi32>
    %shift_right_logical3A_247 = arith.constant 26 : i32
    %shift_right_logical3A_248 = vector.broadcast %shift_right_logical3A_247 : i32 to vector<1024x1000xi32>
    %shift_right_logical3A_249 = arith.shrui %xor3A_242, %shift_right_logical3A_248 : vector<1024x1000xi32>
    %or3A_250 = arith.ori %shift_left3A_246, %shift_right_logical3A_249 : vector<1024x1000xi32>
    %xor3A_251 = arith.xori %add3A_243, %or3A_250 : vector<1024x1000xi32>
    %add3A_252 = vector.broadcast %xor3A_48 : i32 to vector<1024x1000xi32>
    %add3A_253 = arith.addi %add3A_243, %add3A_252 : vector<1024x1000xi32>
    %add3A_254 = arith.constant 5 : i32
    %add3A_255 = arith.addi %get3A_0, %add3A_254 : i32
    %add3A_256 = vector.broadcast %add3A_255 : i32 to vector<1024x1000xi32>
    %add3A_257 = arith.addi %xor3A_251, %add3A_256 : vector<1024x1000xi32>
    %xor3A_258 = arith.xori %add3A_253, %add3A_257 : vector<1024x1000xi32>
    %shift_right_logical3A_259 = arith.constant 9 : i32
    %shift_right_logical3A_260 = vector.broadcast %shift_right_logical3A_259 : i32 to vector<1024x1000xi32>
    %shift_right_logical3A_261 = arith.shrui %xor3A_258, %shift_right_logical3A_260 : vector<1024x1000xi32>
    %or3A_262 = arith.constant 1065353216 : i32
    %or3A_263 = vector.broadcast %or3A_262 : i32 to vector<1024x1000xi32>
    %or3A_264 = arith.ori %shift_right_logical3A_261, %or3A_263 : vector<1024x1000xi32>
    %bitcast_convert_type3A = tpu.bitcast %or3A_264 : vector<1024x1000xi32> -> vector<1024x1000xf32>
    %sub3A = arith.constant 1.000000e+00 : f32
    %sub3A_265 = vector.broadcast %sub3A : f32 to vector<1024x1000xf32>
    %sub3A_266 = arith.subf %bitcast_convert_type3A, %sub3A_265 : vector<1024x1000xf32>
    %add3A_267 = arith.constant 1.17549435E-38 : f32
    %add3A_268 = vector.broadcast %add3A_267 : f32 to vector<1024x1000xf32>
    %add3A_269 = arith.addf %sub3A_266, %add3A_268 : vector<1024x1000xf32>
    %log3A = math.log %add3A_269 : vector<1024x1000xf32>
    %neg3A = arith.constant 0.000000e+00 : f32
    %neg3A_270 = vector.broadcast %neg3A : f32 to vector<1024x1000xf32>
    %neg3A_271 = arith.subf %neg3A_270, %log3A : vector<1024x1000xf32>
    %log3A_272 = math.log %neg3A_271 : vector<1024x1000xf32>
    %sub3A_273 = arith.subf %add3A_39, %log3A_272 : vector<1024x1000xf32>
    %reduce_max3A = arith.constant dense<0xFF800000> : vector<1024xf32>
    %reduce_max3A_274 = vector.multi_reduction <maximumf>, %sub3A_273, %reduce_max3A [1] : vector<1024x1000xf32> to vector<1024xf32>
    %broadcast_in_dim3A_275 = vector.shape_cast %reduce_max3A_274 : vector<1024xf32> to vector<1024x1xf32>
    %eq3A = vector.broadcast %broadcast_in_dim3A_275 : vector<1024x1xf32> to vector<1024x1000xf32>
    %eq3A_276 = arith.cmpf oeq, %sub3A_273, %eq3A : vector<1024x1000xf32>
    %jit3A = arith.constant 1000 : i32
    %broadcast_in_dim3A_277 = vector.broadcast %jit3A : i32 to vector<1024x1000xi32>
    %select_n3A = arith.select %eq3A_276, %iota3A, %broadcast_in_dim3A_277 : vector<1024x1000xi1>, vector<1024x1000xi32>
    %reduce_min3A = arith.constant dense<2147483647> : vector<1024xi32>
    %reduce_min3A_278 = vector.multi_reduction <minsi>, %select_n3A, %reduce_min3A [1] : vector<1024x1000xi32> to vector<1024xi32>
    %reduce_max3A_279 = arith.constant dense<0xFF800000> : vector<1024xf32>
    %reduce_max3A_280 = vector.multi_reduction <maximumf>, %add3A_39, %reduce_max3A_279 [1] : vector<1024x1000xf32> to vector<1024xf32>
    %broadcast_in_dim3A_281 = vector.shape_cast %reduce_max3A_280 : vector<1024xf32> to vector<1024x1xf32>
    %sub3A_282 = vector.broadcast %broadcast_in_dim3A_281 : vector<1024x1xf32> to vector<1024x1000xf32>
    %sub3A_283 = arith.subf %add3A_39, %sub3A_282 : vector<1024x1000xf32>
    %exp3A = math.exp %sub3A_283 : vector<1024x1000xf32>
    %reduce_sum3A = arith.constant dense<0.000000e+00> : vector<1024xf32>
    %reduce_sum3A_284 = vector.multi_reduction <add>, %exp3A, %reduce_sum3A [1] : vector<1024x1000xf32> to vector<1024xf32>
    %log3A_285 = math.log %reduce_sum3A_284 : vector<1024xf32>
    %squeeze3A = vector.shape_cast %broadcast_in_dim3A_281 : vector<1024x1xf32> to vector<1024xf32>
    %add3A_286 = arith.addf %log3A_285, %squeeze3A : vector<1024xf32>
    %broadcast_in_dim3A_287 = vector.shape_cast %reduce_min3A_278 : vector<1024xi32> to vector<1024x1xi32>
    %eq3A_288 = vector.broadcast %broadcast_in_dim3A_287 : vector<1024x1xi32> to vector<1024x1000xi32>
    %eq3A_289 = arith.cmpi eq, %iota3A, %eq3A_288 : vector<1024x1000xi32>
    %jit3A_290 = arith.constant 0.000000e+00 : f32
    %broadcast_in_dim3A_291 = vector.broadcast %jit3A_290 : f32 to vector<1024x1000xf32>
    %select_n3A_292 = arith.select %eq3A_289, %add3A_39, %broadcast_in_dim3A_291 : vector<1024x1000xi1>, vector<1024x1000xf32>
    %reduce_sum3A_293 = arith.constant dense<0.000000e+00> : vector<1024xf32>
    %reduce_sum3A_294 = vector.multi_reduction <add>, %select_n3A_292, %reduce_sum3A_293 [1] : vector<1024x1000xf32> to vector<1024xf32>
    %swap3A = arith.constant 0 : index
    %swap3A_295 = arith.constant 0 : index
    %swap3A_296 = arith.constant 0 : index
    %swap3A_297 = vector.load %arg9[%swap3A, %swap3A_295, %swap3A_296] : memref<1x1x1024xi32, #tpu.memory_space<vmem>>, vector<1x1x1024xi32>
    %swap3A_298 = vector.shape_cast %swap3A_297 : vector<1x1x1024xi32> to vector<1024xi32>
    %swap3A_299 = vector.shape_cast %reduce_min3A_278 : vector<1024xi32> to vector<1x1x1024xi32>
    tpu.vector_store %arg9[%swap3A, %swap3A_295, %swap3A_296], %swap3A_299 {strides = array<i32>} : memref<1x1x1024xi32, #tpu.memory_space<vmem>>, vector<1x1x1024xi32>,
    %sub3A_300 = arith.subf %reduce_sum3A_294, %add3A_286 : vector<1024xf32>
    %swap3A_301 = arith.constant 0 : index
    %swap3A_302 = arith.constant 0 : index
    %swap3A_303 = arith.constant 0 : index
    %swap3A_304 = vector.load %arg10[%swap3A_301, %swap3A_302, %swap3A_303] : memref<1x1x1024xf32, #tpu.memory_space<vmem>>, vector<1x1x1024xf32>
    %swap3A_305 = vector.shape_cast %swap3A_304 : vector<1x1x1024xf32> to vector<1024xf32>
    %swap3A_306 = vector.shape_cast %sub3A_300 : vector<1024xf32> to vector<1x1x1024xf32>
    tpu.vector_store %arg10[%swap3A_301, %swap3A_302, %swap3A_303], %swap3A_306 {strides = array<i32>} : memref<1x1x1024xf32, #tpu.memory_space<vmem>>, vector<1x1x1024xf32>,
    return
  }
  func.func @transform_0(%arg0: i32) -> i32 {
    %c0_i32 = arith.constant 0 : i32
    %c0_i32_0 = arith.constant 0 : i32
    return %c0_i32 : i32
  }
  func.func @transform_1(%arg0: i32) -> (i32, i32) {
    %c0_i32 = arith.constant 0 : i32
    %c0_i32_0 = arith.constant 0 : i32
    return %arg0, %c0_i32 : i32, i32
  }
  func.func @transform_2(%arg0: i32) -> (i32, i32) {
    %c0_i32 = arith.constant 0 : i32
    %c0_i32_0 = arith.constant 0 : i32
    %c0_i32_1 = arith.constant 0 : i32
    return %c0_i32, %c0_i32_0 : i32, i32
  }
  func.func @transform_3(%arg0: i32) -> (i32, i32) {
    %c0_i32 = arith.constant 0 : i32
    %c0_i32_0 = arith.constant 0 : i32
    %c0_i32_1 = arith.constant 0 : i32
    return %c0_i32, %c0_i32_0 : i32, i32
  }
  func.func @transform_4(%arg0: i32) -> (i32, i32) {
    %c0_i32 = arith.constant 0 : i32
    %c0_i32_0 = arith.constant 0 : i32
    %c0_i32_1 = arith.constant 0 : i32
    return %c0_i32, %c0_i32_0 : i32, i32
  }
  func.func @transform_5(%arg0: i32) -> (i32, i32) {
    %c0_i32 = arith.constant 0 : i32
    %c0_i32_0 = arith.constant 0 : i32
    %c0_i32_1 = arith.constant 0 : i32
    return %c0_i32, %c0_i32_0 : i32, i32
  }
  func.func @transform_6(%arg0: i32) -> (i32, i32) {
    %c0_i32 = arith.constant 0 : i32
    %c0_i32_0 = arith.constant 0 : i32
    %c0_i32_1 = arith.constant 0 : i32
    return %c0_i32, %c0_i32_0 : i32, i32
  }
  func.func @transform_7(%arg0: i32) -> (i32, i32) {
    %c0_i32 = arith.constant 0 : i32
    %c0_i32_0 = arith.constant 0 : i32
    %c0_i32_1 = arith.constant 0 : i32
    return %c0_i32, %c0_i32_0 : i32, i32
  }
  func.func @transform_8(%arg0: i32) -> (i32, i32, i32) {
    %c0_i32 = arith.constant 0 : i32
    %c0_i32_0 = arith.constant 0 : i32
    %c0_i32_1 = arith.constant 0 : i32
    return %arg0, %c0_i32, %c0_i32_0 : i32, i32, i32
  }
  func.func @transform_9(%arg0: i32) -> (i32, i32, i32) {
    %c0_i32 = arith.constant 0 : i32
    %c0_i32_0 = arith.constant 0 : i32
    %c0_i32_1 = arith.constant 0 : i32
    return %arg0, %c0_i32, %c0_i32_0 : i32, i32, i32
  }
}

</mosaic_0001>

<sc_bundles>
// kernel: kernel.4.cloned.1.call-start
scs
__scs_entry_jumppad:
0x0: {  	(pc) =	sbr.rel $0x88, $3  }
0x1: {  	(tag) =	ssettag $0x0;
	lr =	simm.s32 $0x1  }
0x2: {  	[smem:$0x3F97] =	sst lr;
	_ =	strace $0xD0000000  }
0x3: {  	_ = 	snop  }
0x4: {  	_ = 	snop  }
0x5: {  	_ = 	snop  }
0x6: {  	_ = 	snop  }
0x7: {  	_ = 	snop  }
__scs_overlays_trampoline_lowered:
0x8: {  	[smem:$0x3FA6] =	sst s0  }
0x9: {  	[smem:$0x3FA7] =	sst s1  }
0xa: {  	[smem:$0x3FA8] =	sst s2  }
0xb: {  	[smem:$0x3FA9] =	sst s3  }
0xc: {  	[smem:$0x3FAA] =	sst s4  }
0xd: {  	[smem:$0x3FAB] =	sst s5  }
0xe: {  	[smem:$0x3FAC] =	sst s6  }
0xf: {  	[smem:$0x3FAD] =	sst s7  }
0x10: {  	[smem:$0x3FAE] =	sst s8  }
0x11: {  	[smem:$0x3FAF] =	sst s9;
	s0 =	simm.s32 @!p0 $0x0  }
0x12: {  	s1 =	sld [smem:$0x3F95];
	s0 =	simm.s32 @p0 $0x1  }
0x13: {  	[smem:$0x3FB0] =	sst s0;
	s0 =	simm.s32 @!p1 $0x0  }
0x14: {  	s2 =	sld [smem:$0x3F94];
	s0 =	simm.s32 @p1 $0x1  }
0x15: {  	[smem:$0x3FB1] =	sst s0;
	s0 =	simm.s32 @!p2 $0x0  }
0x16: {  	s3 =	sld [smem:$0x3FDB];
	s0 =	simm.s32 @p2 $0x1  }
0x17: {  	s4 =	simm.s32 $0x1BF5;
	[smem:$0x3FB3] =	sst s0  }
0x18: {  	s0 =	sld [smem:$0x3F96];
	_ =	swait.ge [sflag:s4], $0x0  }
0x19: {  	s7 =	sld [smem:$0x3F97]  }
0x1a: {  	s8 =	sadd.s32 $0xFFFFE003, lr  }
0x1b: {  	s9 =	sadd.s32 $0xFFFFFEF7, lr;
	s5 =	simm.s32 $0xFFFFFFFF;
	p2 =	slt.u32 s8, $0xFFFFF086  }
0x1c: {  	p1 =	slt.u32 s9, $0xF7A;
	s5 =	simm.s32 @!p2 $0x0  }
0x1d: {  	s5 =	simm.s32 @p1 $0x1;
	p0 =	seq.s32 s7, s2  }
0x1e: {  	s7 =	smul.u32 @!p0 $0xF7A, s2;
	p2 =	seq.s32 @!p0 s5, $0x0  }
0x1f: {  	s9 =	smul.u32 $0xF7A, s1;
	s8 =	simm.s32 @!p0 $0x1BF5;
	p2 =	por !p2, p0  }
0x20: {  	[sflag:s8] =	ssyncset.s32 @!p0 $0xFFFFF086;
	s6 =	sadd.s32 @!p0 s3, s7;
	s7 =	simm.s32 @!p0 $0x108  }
0x21: {  	s3 =	sadd.s32 s3, s9;
	s6 =	sadd.s32 @!p0 $0x88, s6;
	s7 =	simm.s32 @p2 $0x1082  }
0x22: {  	[simem:s7], [sflag:s8] =	dma.local @!p0 [hbm:s6], $0xF7A  }
0x23: {  	s9 =	sor.u32 $0xD0000000, s2;
	s6 =	simm.s32 $0x108;
	_ =	swait.ge @!p0 [sflag:s8], $0x0  }
0x24: {  	s3 =	sadd.s32 $0x88, s3;
	s6 =	simm.s32 @!p1 $0x1082;
	[sflag:s4] =	ssyncset.s32 $0xFFFFF086  }
0x25: {  	[simem:s6], [sflag:s4] =	dma.local [hbm:s3], $0xF7A  }
0x26: {  	[smem:$0x3F97] =	sst s1;
	(tag) =	ssettag s2;
	_ =	strace s9  }
0x27: {  	s1 =	sld [smem:$0x3FA7]  }
0x28: {  	s2 =	sld [smem:$0x3FA8]  }
0x29: {  	s4 =	sld [smem:$0x3FAA]  }
0x2a: {  	p0 =	seq.s32 s5, $0x0;
	s5 =	sld [smem:$0x3FAB]  }
0x2b: {  	s6 =	sld [smem:$0x3FAC]  }
0x2c: {  	s7 =	sld [smem:$0x3FAD]  }
0x2d: {  	s3 =	simm.s32 $0x108;
	s8 =	sld [smem:$0x3FAE]  }
0x2e: {  	s3 =	simm.s32 @!p0 $0x1082;
	s9 =	sld [smem:$0x3FAF]  }
0x2f: {  	lr =	sadd.s32 s0, s3;
	s0 =	sld [smem:$0x3FA6]  }
0x30: {  	s3 =	sld [smem:$0x3FA9]  }
0x31: {  	[smem:$0x3FB2] =	sst s10  }
0x32: {  	s10 =	sld [smem:$0x3FB0];
	_ =	sdelay $0x3  }
0x33: {  	p0 =	seq.s32 s10, $0x1;
	s10 =	sld [smem:$0x3FB2];
	_ =	sdelay $0x3  }
0x34: {  	[smem:$0x3FB2] =	sst s10  }
0x35: {  	s10 =	sld [smem:$0x3FB1];
	_ =	sdelay $0x3  }
0x36: {  	p1 =	seq.s32 s10, $0x1;
	s10 =	sld [smem:$0x3FB2];
	_ =	sdelay $0x3  }
0x37: {  	[smem:$0x3FB2] =	sst s10  }
0x38: {  	s10 =	sld [smem:$0x3FB3]  }
0x39: {  	_ = 	snop;
	(pc) =	sbr.ind lr, $3  }
0x3a: {  	_ = 	snop  }
0x3b: {  	_ = 	snop  }
0x3c: {  	p2 =	seq.s32 s10, $0x1;
	s10 =	sld [smem:$0x3FB2]  }
0x3d: {  	_ =	shalt  }
0x3e: {  	_ =	shalt  }
0x3f: {  	_ =	shalt  }
0x40: {  	_ =	shalt  }
0x41: {  	_ =	shalt  }
0x42: {  	_ =	shalt  }
0x43: {  	_ =	shalt  }
0x44: {  	_ =	shalt  }
0x45: {  	_ =	shalt  }
0x46: {  	_ =	shalt  }
0x47: {  	_ =	shalt  }
0x48: {  	_ =	shalt  }
0x49: {  	_ =	shalt  }
0x4a: {  	_ =	shalt  }
0x4b: {  	_ =	shalt  }
0x4c: {  	_ =	shalt  }
0x4d: {  	_ =	shalt  }
0x4e: {  	_ =	shalt  }
0x4f: {  	_ =	shalt  }
0x50: {  	_ =	shalt  }
0x51: {  	_ =	shalt  }
0x52: {  	_ =	shalt  }
0x53: {  	_ =	shalt  }
0x54: {  	_ =	shalt  }
0x55: {  	_ =	shalt  }
0x56: {  	_ =	shalt  }
0x57: {  	_ =	shalt  }
0x58: {  	_ =	shalt  }
0x59: {  	_ =	shalt  }
0x5a: {  	_ =	shalt  }
0x5b: {  	_ =	shalt  }
0x5c: {  	_ =	shalt  }
0x5d: {  	_ =	shalt  }
0x5e: {  	_ =	shalt  }
0x5f: {  	_ =	shalt  }
0x60: {  	_ =	shalt  }
0x61: {  	_ =	shalt  }
0x62: {  	_ =	shalt  }
0x63: {  	_ =	shalt  }
0x64: {  	_ =	shalt  }
0x65: {  	_ =	shalt  }
0x66: {  	_ =	shalt  }
0x67: {  	_ =	shalt  }
0x68: {  	_ =	shalt  }
0x69: {  	_ =	shalt  }
0x6a: {  	_ =	shalt  }
0x6b: {  	_ =	shalt  }
0x6c: {  	_ =	shalt  }
0x6d: {  	_ =	shalt  }
0x6e: {  	_ =	shalt  }
0x6f: {  	_ =	shalt  }
0x70: {  	_ =	shalt  }
0x71: {  	_ =	shalt  }
0x72: {  	_ =	shalt  }
0x73: {  	_ =	shalt  }
0x74: {  	_ =	shalt  }
0x75: {  	_ =	shalt  }
0x76: {  	_ =	shalt  }
0x77: {  	_ =	shalt  }
0x78: {  	_ =	shalt  }
0x79: {  	_ =	shalt  }
0x7a: {  	_ =	shalt  }
0x7b: {  	_ =	shalt  }
0x7c: {  	_ =	shalt  }
0x7d: {  	_ =	shalt  }
0x7e: {  	_ =	shalt  }
0x7f: {  	_ =	shalt  }
0x80: {  	_ =	shalt  }
0x81: {  	_ =	shalt  }
0x82: {  	_ =	shalt  }
0x83: {  	_ =	shalt  }
0x84: {  	_ =	shalt  }
0x85: {  	_ =	shalt  }
0x86: {  	_ =	shalt  }
0x87: {  	_ =	shalt  }
.Lfunc_end0:
.L_simem_size_0:
called_computation_lowered:
.L_overlay_start_0:
0x88: {  	s2 =	sld [smem:$0x3FD9]  }
0x89: {  	s3 =	sld [smem:$0x3FFE];
	_ =	sdelay $0x1  }
0x8a: {  	s1 =	srdreg.scid  }
0x8b: {  	s0 =	sand.u32 $0x1, s1  }
0x8c: {  	s14 =	sshll.u32 s0, $0xA;
	s2 =	sadd.s32 s3, s2  }
0x8d: {  	s2 =	sadd.s32 s2, s14  }
0x8e: {  	[smem:$0x3FBE] =	sst s2  }
0x8f: {  	_ = 	snop  }
0x90: {  	s2 =	sld [smem:$0x3FD0];
	_ =	sdelay $0x1  }
0x91: {  	s15 =	sld [smem:$0x3FC2]  }
0x92: {  	s5 =	simm.s32 $0xA;
	s6 =	simm.s32 $0x10;
	s4 =	sld [smem:$0x3FC1]  }
0x93: {  	[smem:s6], [sflag:s5] =	dma.local [hbm:s2], $0x1  }
0x94: {  	_ =	swait.eq [sflag:s5], $0x1  }
0x95: {  	[sflag:s5] =	ssyncset.done $0x0  }
0x96: {  	s16 =	sld [smem:$0x10];
	[sflag:s5] =	ssyncadd.s32 $0xFFFFFFFF  }
0x97: {  	s17 =	sld [smem:$0x11];
	(tm) =	ssettm $0x1  }
0x98: {  	s18 =	sld [smem:$0x3FFB];
	_ =	sdelay $0x3  }
0x99: {  	_ =	strace s18  }
0x9a: {  	s6 =	sld [smem:$0x3FFC];
	_ =	sdelay $0x3  }
0x9b: {  	_ =	strace s6  }
0x9c: {  	s6 =	sld [smem:$0x3FFD];
	_ =	sdelay $0x3  }
0x9d: {  	_ =	strace s6  }
0x9e: {  	_ =	strace $0x8FFFFFFF  }
0x9f: {  	s19 =	sld [smem:$0x3FDB];
	_ =	sdelay $0x1  }
0xa0: {  	s7 =	simm.s32 $_scs_section_size  }
0xa1: {  	s8 =	simm.s32 $_size__tile_overlayer_lowered;
	s9 =	simm.s32 $_tile_overlayer_lowered  }
0xa2: {  	s22 =	simm.s32 $0x1BFF;
	s21 =	sshll.u32 s9, $0x1;
	s6 =	sadd.s32 s7, s19  }
0xa3: {  	s10 =	simm.s32 $0x0;
	s20 =	sshll.u32 s8, $0x1;
	s8 =	sadd.s32 s21, s6  }
0xa4: {  	[timem:s10], [sflag:s22] =	dma.local [hbm:s8], s20  }
0xa5: {  	_ =	swait.ge [sflag:s22], s20  }
0xa6: {  	s7 =	ssub.s32 $0x0, s20;
	[sflag:s22] =	ssyncset.done $0x0  }
0xa7: {  	[sflag:s22] =	ssyncadd.s32 s7;
	_ =	sdelay $0x1  }
0xa8: {  	s23 =	simm.s32 $0x1B8B  }
0xa9: {  	_ =	swait.ge [sflag:s23], $0x1  }
0xaa: {  	[sflag:s23] =	ssyncset.done $0x0  }
0xab: {  	s25 =	simm.s32 $0x1B8E;
	s24 =	sld [smem:$0x3FFE];
	[sflag:s23] =	ssyncadd.s32 $0xFFFFFFFF  }
0xac: {  	s26 =	simm.s32 $execute0_lowered;
	[smem:$0x3FD2] =	sst s25  }
0xad: {  	s8 =	sshll.u32 s26, $0x1;
	_ =	strace $0x80000046;
	[dreg:$0x1] =	wrdreg $0xFFFFFFFF  }
0xae: {  	s28 =	simm.s32 $_size_execute0_lowered;
	s6 =	sadd.s32 s6, s8;
	[dreg:$0x0] =	wrdreg $0x0  }
0xaf: {  	s8 =	sshll.u32 s28, $0x1;
	[dreg:$0x2] =	wrdreg s6  }
0xb0: {  	[dreg:$0x3] =	wrdreg s8  }
0xb1: {  	[dreg:$0x4] =	wrdreg $0xC0  }
0xb2: {  	_ =	task [dreg:s10], $0x5FFFF  }
0xb3: {  	[dreg:$0x1] =	wrdreg $0xFFFFFFFF  }
0xb4: {  	[dreg:$0x0] =	wrdreg $0x60  }
0xb5: {  	[dreg:$0x2] =	wrdreg s15  }
0xb6: {  	[dreg:$0x3] =	wrdreg s4  }
0xb7: {  	[dreg:$0x4] =	wrdreg s24  }
0xb8: {  	[dreg:$0x5] =	wrdreg s16  }
0xb9: {  	[dreg:$0x6] =	wrdreg s17  }
0xba: {  	[dreg:$0x7] =	wrdreg $0x9  }
0xbb: {  	_ =	task.clear_ibuf [dreg:s10], $0x8FFFF;
	_ =	strace $0x90000046  }
0xbc: {  	s29 =	simm.s32 $0x9;
	_ =	strace $0x80000048  }
0xbd: {  	_ =	swait.ge [sflag:s29], $0x1  }
0xbe: {  	[sflag:s29] =	ssyncadd.s32 $0xFFFFFFFF  }
0xbf: {  	_ =	strace $0x90000048  }
0xc0: {  	_ =	sfence  }
0xc1: {  	s30 =	sld [smem:$0x0];
	_ =	sdelay $0x2  }
0xc2: {  	s31 =	sshll.u32 s1, $0xD;
	s1 =	sshrl.u32 s1, $0x2  }
0xc3: {  	s3 =	sand.u32 $0x4000, s31;
	s1 =	sadd.s32 s1, s30  }
0xc4: {  	s0 =	sor.u32 s3, s0;
	s1 =	sshll.u32 s1, $0x11  }
0xc5: {  	s0 =	sor.u32 s1, s0  }
0xc6: {  	s0 =	sadd.s32 $0x8F2B, s0  }
0xc7: {  	[sflag:s0] =	ssyncadd.remote.s32 $0x1  }
0xc8: {  	_ =	sfence.sel $0xFFFF  }
0xc9: {  	[dreg:$0x0] =	wrdreg $0xFFFFFFFF;
	(pc) =	sbr.abs _section_cstart, $3  }
0xca: {  	[dreg:$0x1] =	wrdreg $0xFFFFFFFF  }
0xcb: {  	_ =	task.clear_ibuf [dreg:s10], $0x2FFFF;
	_ =	strace $0x9FFFFFFF  }
0xcc: {  	(tm) =	ssettm $0x7FFFFFFF  }
0xcd: {  	_ =	shalt  }
tec
execute0_lowered:
.L_overlay_start_1:
0x0: {  	(tag) =	ssettag $0x1  }
0x1: {  	s1 =	rddreg [dreg:$0x0]  }
0x2: {  	s2 =	rddreg [dreg:$0x1];
	s3 =	srdreg.scid  }
0x3: {  	s5 =	rddreg [dreg:$0x2];
	s0 =	stileid.u32;
	s26 =	sand.u32 $0x1, s3  }
0x4: {  	s24 =	rddreg [dreg:$0x3];
	s30 =	sshll.u32 s0, $0xA;
	s4 =	sshll.u32 s26, $0x9  }
0x5: {  	s25 =	rddreg [dreg:$0x4];
	s13 =	sor.u32 s4, s30  }
0x6: {  	s3 =	rddreg [dreg:$0x5];
	s4 =	simm.s32 $0x0;
	s6 =	sshrl.u32 s13, $0x3  }
0x7: {  	[smem:$0x7FF] =	sst s4;
	s5 =	sadd.s32 s6, s5  }
0x8: {  	_ =	strace $0x80000047;
	s6 =	simm.s32 $0x5;
	s5 =	sadd.s32 $0x1800, s5  }
0x9: {  	[tilespmem:s4], [sflag:$0x5] =	stream.linear.gather [hbm4b:s5+s4], $0x200, $0x38;
	[tilespmem:$0x10200] =	vst v63  }
0xa: {  	_ =	swait.ge [sflag:s6], $0x200  }
0xb: {  	[sflag:s6] =	ssyncset.done $0x0  }
0xc: {  	s7 =	simm.s32 $0x80;
	s8 =	simm.s32 $0x200;
	[sflag:s6] =	ssyncadd.s32 $0xFFFFFE00  }
0xd: {  	[tilespmem:s8], [sflag:$0x1] =	stream.indirect.gather [hbm4b:s1+s7], $0x80, s4, s7, $0xb8;
	[tilespmem:$0x10200] =	vst v63  }
0xe: {  	s9 =	simm.s32 $0x4200  }
0xf: {  	[tilespmem:s9], [sflag:$0x1] =	stream.indirect.gather [hbm4b:s2+s7], $0x80, s4, s7, $0xb8;
	[tilespmem:$0x10200] =	vst v63  }
0x10: {  	s10 =	simm.s32 $0x8200  }
0x11: {  	[tilespmem:s10], [sflag:$0x2] =	stream.indirect.gather [hbm4b:s1+s7], $0x80, s7, s7, $0xb8;
	[tilespmem:$0x10200] =	vst v63  }
0x12: {  	s11 =	simm.s32 $0xC200;
	s12 =	simm.s32 $0x1  }
0x13: {  	[tilespmem:s11], [sflag:$0x2] =	stream.indirect.gather [hbm4b:s2+s7], $0x80, s7, s7, $0xb8;
	[tilespmem:$0x10200] =	vst v63  }
0x14: {  	_ =	swait.ge [sflag:s12], $0x4000  }
0x15: {  	[sflag:s12] =	ssyncset.done $0x0  }
0x16: {  	[sflag:s12] =	ssyncadd.s32 $0xFFFFC000  }
0x17: {  	_ =	swait.ge [sflag:s12], $0x4000  }
0x18: {  	s28 =	sshll.u32 s13, $0x4;
	[sflag:s12] =	ssyncset.done $0x0  }
0x19: {  	s13 =	sadd.s32 s24, s28;
	[sflag:s12] =	ssyncadd.s32 $0xFFFFC000  }
0x1a: {  	[hbm4b:s13+s4] =	stream.linear.scatter [tilespmem:s8], [sflag:$0x3], $0x4000, $0x38;
	[tilespmem:$0x10200] =	vst v63  }
0x1b: {  	s15 =	simm.s32 $0x3;
	s14 =	sadd.s32 s25, s28  }
0x1c: {  	[hbm4b:s14+s4] =	stream.linear.scatter [tilespmem:s9], [sflag:$0x3], $0x4000, $0x38;
	[tilespmem:$0x10200] =	vst v63  }
0x1d: {  	_ =	swait.ge [sflag:s15], $0x4000  }
0x1e: {  	[sflag:s15] =	ssyncset.done $0x0  }
0x1f: {  	[sflag:s15] =	ssyncadd.s32 $0xFFFFC000  }
0x20: {  	_ =	swait.ge [sflag:s15], $0x4000  }
0x21: {  	[sflag:s15] =	ssyncset.done $0x0  }
0x22: {  	s16 =	simm.s32 $0x100;
	[sflag:s15] =	ssyncadd.s32 $0xFFFFC000  }
0x23: {  	[tilespmem:s8], [sflag:$0x1] =	stream.indirect.gather [hbm4b:s1+s7], $0x80, s16, s7, $0xb8;
	[tilespmem:$0x10200] =	vst v63  }
0x24: {  	s17 =	simm.s32 $0x2  }
0x25: {  	[tilespmem:s9], [sflag:$0x1] =	stream.indirect.gather [hbm4b:s2+s7], $0x80, s16, s7, $0xb8;
	[tilespmem:$0x10200] =	vst v63  }
0x26: {  	_ =	swait.ge [sflag:s17], $0x4000  }
0x27: {  	[sflag:s17] =	ssyncset.done $0x0  }
0x28: {  	[sflag:s17] =	ssyncadd.s32 $0xFFFFC000  }
0x29: {  	_ =	swait.ge [sflag:s17], $0x4000  }
0x2a: {  	s19 =	sor.u32 $0x800, s28;
	[sflag:s17] =	ssyncset.done $0x0  }
0x2b: {  	s18 =	sadd.s32 s24, s19;
	[sflag:s17] =	ssyncadd.s32 $0xFFFFC000  }
0x2c: {  	[hbm4b:s18+s4] =	stream.linear.scatter [tilespmem:s10], [sflag:$0x4], $0x4000, $0x38;
	[tilespmem:$0x10200] =	vst v63  }
0x2d: {  	s20 =	sadd.s32 s25, s19;
	s19 =	simm.s32 $0x4  }
0x2e: {  	[hbm4b:s20+s4] =	stream.linear.scatter [tilespmem:s11], [sflag:$0x4], $0x4000, $0x38;
	[tilespmem:$0x10200] =	vst v63  }
0x2f: {  	_ =	swait.ge [sflag:s19], $0x4000  }
0x30: {  	[sflag:s19] =	ssyncset.done $0x0  }
0x31: {  	[sflag:s19] =	ssyncadd.s32 $0xFFFFC000  }
0x32: {  	_ =	swait.ge [sflag:s19], $0x4000  }
0x33: {  	[sflag:s19] =	ssyncset.done $0x0  }
0x34: {  	s21 =	simm.s32 $0x180;
	[sflag:s19] =	ssyncadd.s32 $0xFFFFC000  }
0x35: {  	[tilespmem:s10], [sflag:$0x2] =	stream.indirect.gather [hbm4b:s1+s7], $0x80, s21, s7, $0xb8;
	[tilespmem:$0x10200] =	vst v63  }
0x36: {  	_ = 	snop  }
0x37: {  	[tilespmem:s11], [sflag:$0x2] =	stream.indirect.gather [hbm4b:s2+s7], $0x80, s21, s7, $0xb8;
	[tilespmem:$0x10200] =	vst v63  }
0x38: {  	_ =	swait.ge [sflag:s12], $0x4000  }
0x39: {  	[sflag:s12] =	ssyncset.done $0x0  }
0x3a: {  	[sflag:s12] =	ssyncadd.s32 $0xFFFFC000  }
0x3b: {  	_ =	swait.ge [sflag:s12], $0x4000  }
0x3c: {  	s23 =	sor.u32 $0x1000, s28;
	[sflag:s12] =	ssyncset.done $0x0  }
0x3d: {  	s22 =	sadd.s32 s24, s23;
	[sflag:s12] =	ssyncadd.s32 $0xFFFFC000  }
0x3e: {  	[hbm4b:s22+s4] =	stream.linear.scatter [tilespmem:s8], [sflag:$0x3], $0x4000, $0x38;
	[tilespmem:$0x10200] =	vst v63  }
0x3f: {  	s23 =	sadd.s32 s25, s23  }
0x40: {  	[hbm4b:s23+s4] =	stream.linear.scatter [tilespmem:s9], [sflag:$0x3], $0x4000, $0x38;
	[tilespmem:$0x10200] =	vst v63  }
0x41: {  	_ =	swait.ge [sflag:s17], $0x4000  }
0x42: {  	[sflag:s17] =	ssyncset.done $0x0  }
0x43: {  	[sflag:s17] =	ssyncadd.s32 $0xFFFFC000  }
0x44: {  	_ =	swait.ge [sflag:s17], $0x4000  }
0x45: {  	s28 =	sor.u32 $0x1800, s28;
	[sflag:s17] =	ssyncset.done $0x0  }
0x46: {  	s24 =	sadd.s32 s24, s28;
	[sflag:s17] =	ssyncadd.s32 $0xFFFFC000  }
0x47: {  	[hbm4b:s24+s4] =	stream.linear.scatter [tilespmem:s10], [sflag:$0x4], $0x4000, $0x38;
	[tilespmem:$0x10200] =	vst v63  }
0x48: {  	s25 =	sadd.s32 s25, s28  }
0x49: {  	[hbm4b:s25+s4] =	stream.linear.scatter [tilespmem:s11], [sflag:$0x4], $0x4000, $0x38;
	[tilespmem:$0x10200] =	vst v63  }
0x4a: {  	_ =	swait.ge [sflag:s15], $0x4000  }
0x4b: {  	s26 =	ssub.s32 $0x2, s26;
	[sflag:s15] =	ssyncset.done $0x0  }
0x4c: {  	s31 =	sshrl.u32 s26, $0x1;
	[sflag:s15] =	ssyncadd.s32 $0xFFFFC000  }
0x4d: {  	s26 =	ssub.s32 s26, s31;
	_ =	swait.ge [sflag:s15], $0x4000  }
0x4e: {  	s26 =	smax.u32 s26, $0x1;
	[sflag:s15] =	ssyncset.done $0x0  }
0x4f: {  	p0 =	sne.s32 s26, $0x1;
	[sflag:s15] =	ssyncadd.s32 $0xFFFFC000  }
.Ltmp0:
0x50: {  	_ =	swait.ge [sflag:s19], $0x4000;
	(pc) =	sbr.rel @!p0 .LBB2_2-.Ltmp0, $4  }
0x51: {  	[sflag:s19] =	ssyncset.done $0x0  }
0x52: {  	[sflag:s19] =	ssyncadd.s32 $0xFFFFC000  }
0x53: {  	_ =	swait.ge [sflag:s19], $0x4000  }
0x54: {  	s26 =	sadd.s32 $0xFFFFFFFF, s26;
	[sflag:s19] =	ssyncset.done $0x0  }
.LBB2_1:
0x55: {  	p0 =	sne.s32 s26, $0x1;
	s26 =	sadd.s32 $0xFFFFFFFF, s26;
	[sflag:s19] =	ssyncadd.s32 $0xFFFFC000  }
0x56: {  	[tilespmem:s4], [sflag:$0x5] =	stream.linear.gather [hbm4b:s5+s4], $0x200, $0x38;
	[tilespmem:$0x10200] =	vst v63  }
0x57: {  	_ =	swait.ge [sflag:s6], $0x200  }
0x58: {  	[sflag:s6] =	ssyncset.done $0x0  }
0x59: {  	[sflag:s6] =	ssyncadd.s32 $0xFFFFFE00  }
0x5a: {  	[tilespmem:s8], [sflag:$0x1] =	stream.indirect.gather [hbm4b:s1+s7], $0x80, s4, s7, $0xb8;
	[tilespmem:$0x10200] =	vst v63  }
0x5b: {  	_ = 	snop  }
0x5c: {  	[tilespmem:s9], [sflag:$0x1] =	stream.indirect.gather [hbm4b:s2+s7], $0x80, s4, s7, $0xb8;
	[tilespmem:$0x10200] =	vst v63  }
0x5d: {  	_ = 	snop  }
0x5e: {  	[tilespmem:s10], [sflag:$0x2] =	stream.indirect.gather [hbm4b:s1+s7], $0x80, s7, s7, $0xb8;
	[tilespmem:$0x10200] =	vst v63  }
0x5f: {  	_ = 	snop  }
0x60: {  	[tilespmem:s11], [sflag:$0x2] =	stream.indirect.gather [hbm4b:s2+s7], $0x80, s7, s7, $0xb8;
	[tilespmem:$0x10200] =	vst v63  }
0x61: {  	_ =	swait.ge [sflag:s12], $0x4000  }
0x62: {  	[sflag:s12] =	ssyncset.done $0x0  }
0x63: {  	[sflag:s12] =	ssyncadd.s32 $0xFFFFC000  }
0x64: {  	_ =	swait.ge [sflag:s12], $0x4000  }
0x65: {  	[sflag:s12] =	ssyncset.done $0x0  }
0x66: {  	[sflag:s12] =	ssyncadd.s32 $0xFFFFC000  }
0x67: {  	[hbm4b:s13+s4] =	stream.linear.scatter [tilespmem:s8], [sflag:$0x3], $0x4000, $0x38;
	[tilespmem:$0x10200] =	vst v63  }
0x68: {  	_ = 	snop  }
0x69: {  	[hbm4b:s14+s4] =	stream.linear.scatter [tilespmem:s9], [sflag:$0x3], $0x4000, $0x38;
	[tilespmem:$0x10200] =	vst v63  }
0x6a: {  	_ =	swait.ge [sflag:s15], $0x4000  }
0x6b: {  	[sflag:s15] =	ssyncset.done $0x0  }
0x6c: {  	[sflag:s15] =	ssyncadd.s32 $0xFFFFC000  }
0x6d: {  	_ =	swait.ge [sflag:s15], $0x4000  }
0x6e: {  	[sflag:s15] =	ssyncset.done $0x0  }
0x6f: {  	[sflag:s15] =	ssyncadd.s32 $0xFFFFC000  }
0x70: {  	[tilespmem:s8], [sflag:$0x1] =	stream.indirect.gather [hbm4b:s1+s7], $0x80, s16, s7, $0xb8;
	[tilespmem:$0x10200] =	vst v63  }
0x71: {  	_ = 	snop  }
0x72: {  	[tilespmem:s9], [sflag:$0x1] =	stream.indirect.gather [hbm4b:s2+s7], $0x80, s16, s7, $0xb8;
	[tilespmem:$0x10200] =	vst v63  }
0x73: {  	_ =	swait.ge [sflag:s17], $0x4000  }
0x74: {  	[sflag:s17] =	ssyncset.done $0x0  }
0x75: {  	[sflag:s17] =	ssyncadd.s32 $0xFFFFC000  }
0x76: {  	_ =	swait.ge [sflag:s17], $0x4000  }
0x77: {  	[sflag:s17] =	ssyncset.done $0x0  }
0x78: {  	[sflag:s17] =	ssyncadd.s32 $0xFFFFC000  }
0x79: {  	[hbm4b:s18+s4] =	stream.linear.scatter [tilespmem:s10], [sflag:$0x4], $0x4000, $0x38;
	[tilespmem:$0x10200] =	vst v63  }
0x7a: {  	_ = 	snop  }
0x7b: {  	[hbm4b:s20+s4] =	stream.linear.scatter [tilespmem:s11], [sflag:$0x4], $0x4000, $0x38;
	[tilespmem:$0x10200] =	vst v63  }
0x7c: {  	_ =	swait.ge [sflag:s19], $0x4000  }
0x7d: {  	[sflag:s19] =	ssyncset.done $0x0  }
0x7e: {  	[sflag:s19] =	ssyncadd.s32 $0xFFFFC000  }
0x7f: {  	_ =	swait.ge [sflag:s19], $0x4000  }
0x80: {  	[sflag:s19] =	ssyncset.done $0x0  }
0x81: {  	[sflag:s19] =	ssyncadd.s32 $0xFFFFC000  }
0x82: {  	[tilespmem:s10], [sflag:$0x2] =	stream.indirect.gather [hbm4b:s1+s7], $0x80, s21, s7, $0xb8;
	[tilespmem:$0x10200] =	vst v63  }
0x83: {  	_ = 	snop  }
0x84: {  	[tilespmem:s11], [sflag:$0x2] =	stream.indirect.gather [hbm4b:s2+s7], $0x80, s21, s7, $0xb8;
	[tilespmem:$0x10200] =	vst v63  }
0x85: {  	_ =	swait.ge [sflag:s12], $0x4000  }
0x86: {  	[sflag:s12] =	ssyncset.done $0x0  }
0x87: {  	[sflag:s12] =	ssyncadd.s32 $0xFFFFC000  }
0x88: {  	_ =	swait.ge [sflag:s12], $0x4000  }
0x89: {  	[sflag:s12] =	ssyncset.done $0x0  }
0x8a: {  	[sflag:s12] =	ssyncadd.s32 $0xFFFFC000  }
0x8b: {  	[hbm4b:s22+s4] =	stream.linear.scatter [tilespmem:s8], [sflag:$0x3], $0x4000, $0x38;
	[tilespmem:$0x10200] =	vst v63  }
0x8c: {  	_ = 	snop  }
0x8d: {  	[hbm4b:s23+s4] =	stream.linear.scatter [tilespmem:s9], [sflag:$0x3], $0x4000, $0x38;
	[tilespmem:$0x10200] =	vst v63  }
0x8e: {  	_ =	swait.ge [sflag:s17], $0x4000  }
0x8f: {  	[sflag:s17] =	ssyncset.done $0x0  }
0x90: {  	[sflag:s17] =	ssyncadd.s32 $0xFFFFC000  }
0x91: {  	_ =	swait.ge [sflag:s17], $0x4000  }
0x92: {  	[sflag:s17] =	ssyncset.done $0x0  }
0x93: {  	[sflag:s17] =	ssyncadd.s32 $0xFFFFC000  }
0x94: {  	[hbm4b:s24+s4] =	stream.linear.scatter [tilespmem:s10], [sflag:$0x4], $0x4000, $0x38;
	[tilespmem:$0x10200] =	vst v63  }
0x95: {  	_ = 	snop  }
0x96: {  	[hbm4b:s25+s4] =	stream.linear.scatter [tilespmem:s11], [sflag:$0x4], $0x4000, $0x38;
	[tilespmem:$0x10200] =	vst v63  }
0x97: {  	_ =	swait.ge [sflag:s15], $0x4000  }
0x98: {  	[sflag:s15] =	ssyncset.done $0x0  }
0x99: {  	[sflag:s15] =	ssyncadd.s32 $0xFFFFC000  }
0x9a: {  	_ =	swait.ge [sflag:s15], $0x4000  }
0x9b: {  	[sflag:s15] =	ssyncset.done $0x0  }
0x9c: {  	[sflag:s15] =	ssyncadd.s32 $0xFFFFC000  }
.Ltmp1:
0x9d: {  	_ =	swait.ge [sflag:s19], $0x4000;
	(pc) =	sbr.rel @p0 .LBB2_1-.Ltmp1, $4  }
0x9e: {  	[sflag:s19] =	ssyncset.done $0x0  }
0x9f: {  	[sflag:s19] =	ssyncadd.s32 $0xFFFFC000  }
0xa0: {  	_ =	swait.ge [sflag:s19], $0x4000  }
0xa1: {  	[sflag:s19] =	ssyncset.done $0x0  }
.LBB2_2:
0xa2: {  	[sflag:s19] =	ssyncadd.s32 $0xFFFFC000  }
0xa3: {  	_ =	sfence.sel $0x180000  }
0xa4: {  	[bflag:$0x0] =	sbarrier.arrive $0xFFFF  }
0xa5: {  	p0 =	sne.s32 s0, $0x0;
	_ =	strace $0x90000047  }
0xa6: {  	s0 =	sadd.s32 @!p0 $0x100000, s3;
	[bflag:$0x2] =	sbarrier.arrive $0xFFFF  }
0xa7: {  	[sflag:s0] =	ssyncadd.tile.s32 @!p0 $0x1;
	_ =	shalt  }
.Lfunc_end2:
_tile_overlayer_lowered:
.L_overlay_start_2:
0xa8: {  	(tag) =	ssettag $0x2  }
0xa9: {  	s0 =	rddreg [dreg:$0x0];
	s2 =	stileid.u32  }
0xaa: {  	s1 =	rddreg [dreg:$0x1];
	p0 =	sne.s32 s2, $0x0  }
0xab: {  	s3 =	rddreg [dreg:$0x2];
	[bflag:$0x3] =	sbarrier.arrive $0xFFFF;
	s2 =	simm.s32 @!p0 $0x1C05  }
0xac: {  	[timem:s3], [sflag:s2] =	dma.local @!p0 [hbm:s0], s1  }
0xad: {  	s0 =	simm.s32 @!p0 $0x5  }
0xae: {  	_ =	swait.ge @!p0 [sflag:s0], s1  }
0xaf: {  	s1 =	ssub.s32 @!p0 $0x0, s1;
	[sflag:s0] =	ssyncset.done @!p0 $0x0  }
0xb0: {  	[sflag:s0] =	ssyncadd.s32 @!p0 s1  }
0xb1: {  	[bflag:$0x3] =	sbarrier.arrive $0xFFFF  }
0xb2: {  	_ =	shalt  }

</sc_bundles>
